<compile_context>
chip_gen: v7x
topology: tpu7x:2x2x1
jax: 0.10.2.dev20260603
libtpu: 0.0.44.dev20260713+nightly
codegen_flags: <defaults>
</compile_context>

<pallas_src>
import functools

import jax
import jax.numpy as jnp
from jax import lax
from jax.experimental import pallas as pl
from jax.experimental.pallas import tpu as pltpu
from jax.experimental.pallas import tpu_sc as plsc

N, P1, P2, D = 8, 2048, 2048, 3
SQ = 512
NQ = P2 // SQ

_BIG = float("inf")



def _argmin_kernel(x_ref, yt_ref, yidx_ref, xidx_ref):
    xb = x_ref[0]
    ytf = yt_ref[0]

    x2c = jnp.sum(xb * xb, axis=1, keepdims=True)
    xm2 = xb * (-2.0)
    qiof = lax.broadcasted_iota(jnp.int32, (P1, SQ), 1).astype(jnp.float32)
    piof = lax.broadcasted_iota(jnp.int32, (P1, SQ), 0).astype(jnp.float32)

    tmins, tidxs = [], []
    for iq in range(NQ):
        ytb = ytf[:, iq * SQ:(iq + 1) * SQ]
        y2r = jnp.sum(ytb * ytb, axis=0, keepdims=True)
        ab2 = lax.dot_general(xm2, ytb,
                              dimension_numbers=(((1,), (0,)), ((), ())),
                              preferred_element_type=jnp.float32,
                              precision=lax.Precision.DEFAULT)
        d2 = (x2c + y2r) + ab2

        cmin = jnp.min(d2, axis=0, keepdims=True)
        cidx = jnp.min(jnp.where(d2 <= cmin, piof, 65536.0),
                       axis=0, keepdims=True)
        yidx_ref[0, :, iq * SQ:(iq + 1) * SQ] = cidx.astype(jnp.int32)

        tmin = jnp.min(d2, axis=1, keepdims=True)
        tidx = jnp.min(jnp.where(d2 <= tmin, qiof, 65536.0),
                       axis=1, keepdims=True) + float(iq * SQ)
        tmins.append(tmin)
        tidxs.append(tidx)

    m, mi = tmins[0], tidxs[0]
    for k in range(1, NQ):
        upd = tmins[k] < m
        m = jnp.where(upd, tmins[k], m)
        mi = jnp.where(upd, tidxs[k], mi)
    xidx_ref[0] = mi.astype(jnp.int32).reshape(1, P1)


def _argmin_call(x, yt):
    return pl.pallas_call(
        _argmin_kernel,
        grid=(N,),
        in_specs=[
            pl.BlockSpec((1, P1, D), lambda n: (n, 0, 0)),
            pl.BlockSpec((1, D, P2), lambda n: (n, 0, 0)),
        ],
        out_specs=[
            pl.BlockSpec((1, 1, P2), lambda n: (n, 0, 0)),
            pl.BlockSpec((1, 1, P1), lambda n: (n, 0, 0)),
        ],
        out_shape=[
            jax.ShapeDtypeStruct((N, 1, P2), jnp.int32),
            jax.ShapeDtypeStruct((N, 1, P1), jnp.int32),
        ],
    )(x, yt)



_PTS = 1024
_STEPS = _PTS // 16


def _sqrt16(x):
    i = plsc.bitcast(x, jnp.int32)
    i = jnp.int32(0x5F3759DF) - (i >> 1)
    yv = plsc.bitcast(i, jnp.float32)
    xh = 0.5 * x
    for _ in range(3):
        yv = yv * (1.5 - xh * yv * yv)
    return x * yv


def _sc_finish_kernel(x0, x1, x2, nx0, nx1, nx2,
                      y0, y1, y2, ny0, ny1, ny2,
                      xidx, yidx,
                      x2y_out, y2x_out,
                      t0, t1, t2, tn0, tn1, tn2,
                      q0r, q1r, q2r, idxr, outr):
    c = lax.axis_index("c")
    s = lax.axis_index("s")
    n = s // 2
    p0 = (s % 2) * _PTS
    nb = n * 2048
    base = nb + p0

    @pl.when(c == 0)
    def _stage_xdir():
        pltpu.sync_copy(y0.at[pl.ds(nb, 2048)], t0)
        pltpu.sync_copy(y1.at[pl.ds(nb, 2048)], t1)
        pltpu.sync_copy(y2.at[pl.ds(nb, 2048)], t2)
        pltpu.sync_copy(ny0.at[pl.ds(nb, 2048)], tn0)
        pltpu.sync_copy(ny1.at[pl.ds(nb, 2048)], tn1)
        pltpu.sync_copy(ny2.at[pl.ds(nb, 2048)], tn2)
        pltpu.sync_copy(x0.at[pl.ds(base, _PTS)], q0r)
        pltpu.sync_copy(x1.at[pl.ds(base, _PTS)], q1r)
        pltpu.sync_copy(x2.at[pl.ds(base, _PTS)], q2r)
        pltpu.sync_copy(xidx.at[pl.ds(base, _PTS)], idxr)

    @pl.when(c == 1)
    def _stage_ydir():
        pltpu.sync_copy(x0.at[pl.ds(nb, 2048)], t0)
        pltpu.sync_copy(x1.at[pl.ds(nb, 2048)], t1)
        pltpu.sync_copy(x2.at[pl.ds(nb, 2048)], t2)
        pltpu.sync_copy(nx0.at[pl.ds(nb, 2048)], tn0)
        pltpu.sync_copy(nx1.at[pl.ds(nb, 2048)], tn1)
        pltpu.sync_copy(nx2.at[pl.ds(nb, 2048)], tn2)
        pltpu.sync_copy(y0.at[pl.ds(base, _PTS)], q0r)
        pltpu.sync_copy(y1.at[pl.ds(base, _PTS)], q1r)
        pltpu.sync_copy(y2.at[pl.ds(base, _PTS)], q2r)
        pltpu.sync_copy(yidx.at[pl.ds(base, _PTS)], idxr)

    def body(i, _):
        o = i * 16
        idx16 = idxr[pl.ds(o, 16)]
        gx = plsc.load_gather(t0, [idx16])
        gy = plsc.load_gather(t1, [idx16])
        gz = plsc.load_gather(t2, [idx16])
        nx = plsc.load_gather(tn0, [idx16])
        ny = plsc.load_gather(tn1, [idx16])
        nz = plsc.load_gather(tn2, [idx16])
        dx = q0r[pl.ds(o, 16)] - gx
        dy = q1r[pl.ds(o, 16)] - gy
        dz = q2r[pl.ds(o, 16)] - gz
        d2e = dx * dx + dy * dy + dz * dz
        sd = nx * dx + ny * dy + nz * dz
        outr[pl.ds(o, 16)] = _sqrt16(d2e) * jnp.sign(sd)
        return _

    lax.fori_loop(0, _STEPS, body, None)

    @pl.when(c == 0)
    def _out_xdir():
        pltpu.sync_copy(outr, x2y_out.at[pl.ds(base, _PTS)])

    @pl.when(c == 1)
    def _out_ydir():
        pltpu.sync_copy(outr, y2x_out.at[pl.ds(base, _PTS)])


def _sc_finish_call(xc, nxc, yc, nyc, xidx_flat, yidx_flat):
    mesh = plsc.VectorSubcoreMesh(core_axis_name="c", subcore_axis_name="s",
                                  num_cores=2)
    kern = pl.kernel(
        _sc_finish_kernel,
        mesh=mesh,
        compiler_params=pltpu.CompilerParams(needs_layout_passes=False),
        out_type=[
            jax.ShapeDtypeStruct((N * P1,), jnp.float32),
            jax.ShapeDtypeStruct((N * P2,), jnp.float32),
        ],
        scratch_types=[
            pltpu.VMEM((P2,), jnp.float32),
            pltpu.VMEM((P2,), jnp.float32),
            pltpu.VMEM((P2,), jnp.float32),
            pltpu.VMEM((P2,), jnp.float32),
            pltpu.VMEM((P2,), jnp.float32),
            pltpu.VMEM((P2,), jnp.float32),
            pltpu.VMEM((_PTS,), jnp.float32),
            pltpu.VMEM((_PTS,), jnp.float32),
            pltpu.VMEM((_PTS,), jnp.float32),
            pltpu.VMEM((_PTS,), jnp.int32),
            pltpu.VMEM((_PTS,), jnp.float32),
        ],
    )
    return kern(*xc, *nxc, *yc, *nyc, xidx_flat, yidx_flat)




def kernel(x, y, x_normals, y_normals):
    yt = jnp.swapaxes(y, 1, 2)

    yidx3, xidx3 = _argmin_call(x, yt)
    yidx = yidx3.reshape(N, P2)
    xidx = xidx3.reshape(N, P1)

    def comps(a):
        at = jnp.swapaxes(a, 1, 2)
        return tuple(at[:, i, :].reshape(-1) for i in range(3))

    x2y_flat, y2x_flat = _sc_finish_call(
        comps(x), comps(x_normals), comps(y), comps(y_normals),
        xidx.reshape(-1), yidx.reshape(-1))

    return (y2x_flat.reshape(N, P2), x2y_flat.reshape(N, P1), yidx, xidx)

# --- scband reference (transcript-rebuilt; emitter-appended) ---
"""Pipeline reference for scband-p2-psigned-50740743635776 (READ-ONLY COPY).

The authoritative reference and input builder live on the scoring server;
editing this copy changes nothing except your own understanding.
"""

import jax, jax.numpy as jnp
import numpy as np

N, P1, P2, D = 8, 2048, 2048, 3

def _unit(v):
    return v / (jnp.linalg.norm(v, axis=-1, keepdims=True) + 1e-8)

def setup_inputs(seed: int = 0) -> dict:
    key = jax.random.key(seed)
    k1, k2, k3, k4 = jax.random.split(key, 4)
    x = jax.random.normal(k1, (N, P1, D), dtype=jnp.float32)
    y = jax.random.normal(k2, (N, P2, D), dtype=jnp.float32)
    x_normals = _unit(jax.random.normal(k3, (N, P1, D), dtype=jnp.float32))
    y_normals = _unit(jax.random.normal(k4, (N, P2, D), dtype=jnp.float32))
    return {"x": x, "y": y, "x_normals": x_normals, "y_normals": y_normals}

def _pairwise_sqdist(a, b):
    # (N, Pa, Pb) squared euclidean distances
    a2 = jnp.sum(a * a, axis=-1)[:, :, None]
    b2 = jnp.sum(b * b, axis=-1)[:, None, :]
    ab = jnp.einsum('npd,nqd->npq', a, b)
    return a2 + b2 - 2.0 * ab

def reference(x, y, x_normals=None, y_normals=None):
    n, p1, d = x.shape
    p2 = y.shape[1]
    # ChamferDistance: nearest-neighbor indices both directions
    d2 = _pairwise_sqdist(x, y)
    xidx_near = jnp.argmin(d2, axis=2)  # (N, P1): nearest y for each x
    yidx_near = jnp.argmin(d2, axis=1)  # (N, P2): nearest x for each y
    xidx_exp = jnp.broadcast_to(xidx_near[:, :, None], (n, p1, d))
    yidx_exp = jnp.broadcast_to(yidx_near[:, :, None], (n, p2, d))
    x_near = jnp.take_along_axis(y, xidx_exp, axis=1)
    y_near = jnp.take_along_axis(x, yidx_exp, axis=1)
    x2y = x - x_near
    y2x = y - y_near
    if x_normals is not None:
        y_nn = jnp.take_along_axis(x_normals, yidx_exp, axis=1)
        in_out = jnp.sign(jnp.sum(y_nn * y2x, axis=-1))
        y2x_signed = jnp.linalg.norm(y2x, axis=2) * in_out
    else:
        y2x_signed = jnp.linalg.norm(y2x, axis=2)
    if y_normals is not None:
        x_nn = jnp.take_along_axis(y_normals, xidx_exp, axis=1)
        in_out_x = jnp.sign(jnp.sum(x_nn * x2y, axis=-1))
        x2y_signed = jnp.linalg.norm(x2y, axis=2) * in_out_x
    else:
        x2y_signed = jnp.linalg.norm(x2y, axis=2)
    return (y2x_signed, x2y_signed, yidx_near, xidx_near)

if __name__ == "__main__":
    import jax
    _d = setup_inputs()
    print(jax.jit(kernel)(*tuple(_d.values())))

</pallas_src>

<mosaic_0001>
#map = affine_map<(d0, d1) -> (0)>
module attributes {stable_mosaic.version = 14 : i64} {
  func.func @_sc_finish_kernel(%arg0: i32, %arg1: i32, %arg2: memref<16384xf32, #tpu.memory_space<hbm>>, %arg3: memref<16384xf32, #tpu.memory_space<hbm>>, %arg4: memref<16384xf32, #tpu.memory_space<hbm>>, %arg5: memref<16384xf32, #tpu.memory_space<hbm>>, %arg6: memref<16384xf32, #tpu.memory_space<hbm>>, %arg7: memref<16384xf32, #tpu.memory_space<hbm>>, %arg8: memref<16384xf32, #tpu.memory_space<hbm>>, %arg9: memref<16384xf32, #tpu.memory_space<hbm>>, %arg10: memref<16384xf32, #tpu.memory_space<hbm>>, %arg11: memref<16384xf32, #tpu.memory_space<hbm>>, %arg12: memref<16384xf32, #tpu.memory_space<hbm>>, %arg13: memref<16384xf32, #tpu.memory_space<hbm>>, %arg14: memref<16384xi32, #tpu.memory_space<hbm>>, %arg15: memref<16384xi32, #tpu.memory_space<hbm>>, %arg16: memref<16384xf32, #tpu.memory_space<hbm>>, %arg17: memref<16384xf32, #tpu.memory_space<hbm>>, %arg18: memref<2048xf32, #tpu.memory_space<vmem>>, %arg19: memref<2048xf32, #tpu.memory_space<vmem>>, %arg20: memref<2048xf32, #tpu.memory_space<vmem>>, %arg21: memref<2048xf32, #tpu.memory_space<vmem>>, %arg22: memref<2048xf32, #tpu.memory_space<vmem>>, %arg23: memref<2048xf32, #tpu.memory_space<vmem>>, %arg24: memref<1024xf32, #tpu.memory_space<vmem>>, %arg25: memref<1024xf32, #tpu.memory_space<vmem>>, %arg26: memref<1024xf32, #tpu.memory_space<vmem>>, %arg27: memref<1024xi32, #tpu.memory_space<vmem>>, %arg28: memref<1024xf32, #tpu.memory_space<vmem>>) attributes {dimension_semantics = [#tpu.dimension_semantics<core_parallel>, #tpu.dimension_semantics<subcore_parallel>], iteration_bounds = array<i64: 2, 16>, scalar_prefetch = 0 : i64, scratch_operands = 11 : i64, tpu.core_type = #tpu.core_type<sc_vector_subcore>, window_params = [{transform_indices = #map}, {transform_indices = #map}, {transform_indices = #map}, {transform_indices = #map}, {transform_indices = #map}, {transform_indices = #map}, {transform_indices = #map}, {transform_indices = #map}, {transform_indices = #map}, {transform_indices = #map}, {transform_indices = #map}, {transform_indices = #map}, {transform_indices = #map}, {transform_indices = #map}, {transform_indices = #map}, {transform_indices = #map}]} {
    %jit3A = arith.constant 2 : i32
    %div3A = arith.divsi %arg1, %jit3A : i32
    %sign3A = arith.constant 0 : i32
    %sign3A_0 = arith.cmpi sgt, %arg1, %sign3A : i32
    %sign3A_1 = arith.extui %sign3A_0 : i1 to i32
    %sign3A_2 = arith.constant 0 : i32
    %sign3A_3 = arith.cmpi slt, %arg1, %sign3A_2 : i32
    %sign3A_4 = arith.extui %sign3A_3 : i1 to i32
    %sign3A_5 = arith.subi %sign3A_1, %sign3A_4 : i32
    %sign3A_6 = arith.constant 0 : i32
    %sign3A_7 = arith.cmpi sgt, %jit3A, %sign3A_6 : i32
    %sign3A_8 = arith.extui %sign3A_7 : i1 to i32
    %sign3A_9 = arith.constant 0 : i32
    %sign3A_10 = arith.cmpi slt, %jit3A, %sign3A_9 : i32
    %sign3A_11 = arith.extui %sign3A_10 : i1 to i32
    %sign3A_12 = arith.subi %sign3A_8, %sign3A_11 : i32
    %ne3A = arith.cmpi ne, %sign3A_5, %sign3A_12 : i32
    %rem3A = arith.remsi %arg1, %jit3A : i32
    %ne3A_13 = arith.constant 0 : i32
    %ne3A_14 = arith.cmpi ne, %rem3A, %ne3A_13 : i32
    %and3A = arith.andi %ne3A, %ne3A_14 : i1
    %sub3A = arith.constant 1 : i32
    %sub3A_15 = arith.subi %div3A, %sub3A : i32
    %select_n3A = arith.select %and3A, %sub3A_15, %div3A : i32
    %jit3A_16 = arith.constant 2 : i32
    %eq3A = arith.constant 0 : i32
    %eq3A_17 = arith.cmpi eq, %jit3A_16, %eq3A : i32
    %jit3A_18 = arith.constant 1 : i32
    %select_n3A_19 = arith.select %eq3A_17, %jit3A_18, %jit3A_16 : i32
    %rem3A_20 = arith.remsi %arg1, %select_n3A_19 : i32
    %ne3A_21 = arith.constant 0 : i32
    %ne3A_22 = arith.cmpi ne, %rem3A_20, %ne3A_21 : i32
    %lt3A = arith.constant 0 : i32
    %lt3A_23 = arith.cmpi slt, %rem3A_20, %lt3A : i32
    %lt3A_24 = arith.constant 0 : i32
    %lt3A_25 = arith.cmpi slt, %select_n3A_19, %lt3A_24 : i32
    %ne3A_26 = arith.xori %lt3A_23, %lt3A_25 : i1
    %and3A_27 = arith.andi %ne3A_26, %ne3A_22 : i1
    %add3A = arith.addi %rem3A_20, %select_n3A_19 : i32
    %select_n3A_28 = arith.select %and3A_27, %add3A, %rem3A_20 : i32
    %mul3A = arith.constant 1024 : i32
    %mul3A_29 = arith.muli %select_n3A_28, %mul3A : i32
    %mul3A_30 = arith.constant 2048 : i32
    %mul3A_31 = arith.muli %select_n3A, %mul3A_30 : i32
    %add3A_32 = arith.addi %mul3A_31, %mul3A_29 : i32
    %eq3A_33 = arith.constant 0 : i32
    %eq3A_34 = arith.cmpi eq, %arg0, %eq3A_33 : i32
    %convert_element_type3A = arith.extui %eq3A_34 : i1 to i32
    %cond3A = arith.constant 0 : i32
    %cond3A_35 = arith.cmpi ne, %convert_element_type3A, %cond3A : i32
    scf.if %cond3A_35 {
      "tpu.region"() ({
        %run_scoped3A = tpu.sem_alloc : memref<!tpu.dma_semaphore, #tpu.memory_space<semaphore_mem>>
        %dma_start3A = tpu.memref_slice %arg8[%mul3A_31] : memref<16384xf32, #tpu.memory_space<hbm>> -> memref<2048xf32, #tpu.memory_space<hbm>>
        %dma_start3A_55 = tpu.memref_slice %arg8[%mul3A_31] : memref<16384xf32, #tpu.memory_space<hbm>> -> memref<2048xf32, #tpu.memory_space<hbm>>
        tpu.enqueue_dma source(%dma_start3A_55 : memref<2048xf32, #tpu.memory_space<hbm>>) target(%arg18 : memref<2048xf32, #tpu.memory_space<vmem>>) target_semaphore(%run_scoped3A : memref<!tpu.dma_semaphore, #tpu.memory_space<semaphore_mem>>)
        %dma_wait3A = tpu.memref_slice %arg8[%mul3A_31] : memref<16384xf32, #tpu.memory_space<hbm>> -> memref<2048xf32, #tpu.memory_space<hbm>>
        %dma_wait3A_56 = tpu.memref_slice %arg8[%mul3A_31] : memref<16384xf32, #tpu.memory_space<hbm>> -> memref<2048xf32, #tpu.memory_space<hbm>>
        tpu.wait_dma2 semaphore(%run_scoped3A : memref<!tpu.dma_semaphore, #tpu.memory_space<semaphore_mem>>) src(%dma_wait3A_56 : memref<2048xf32, #tpu.memory_space<hbm>>) dst(%arg18 : memref<2048xf32, #tpu.memory_space<vmem>>)
        tpu.yield
      }) : () -> ()
      "tpu.region"() ({
        %run_scoped3A = tpu.sem_alloc : memref<!tpu.dma_semaphore, #tpu.memory_space<semaphore_mem>>
        %dma_start3A = tpu.memref_slice %arg9[%mul3A_31] : memref<16384xf32, #tpu.memory_space<hbm>> -> memref<2048xf32, #tpu.memory_space<hbm>>
        %dma_start3A_55 = tpu.memref_slice %arg9[%mul3A_31] : memref<16384xf32, #tpu.memory_space<hbm>> -> memref<2048xf32, #tpu.memory_space<hbm>>
        tpu.enqueue_dma source(%dma_start3A_55 : memref<2048xf32, #tpu.memory_space<hbm>>) target(%arg19 : memref<2048xf32, #tpu.memory_space<vmem>>) target_semaphore(%run_scoped3A : memref<!tpu.dma_semaphore, #tpu.memory_space<semaphore_mem>>)
        %dma_wait3A = tpu.memref_slice %arg9[%mul3A_31] : memref<16384xf32, #tpu.memory_space<hbm>> -> memref<2048xf32, #tpu.memory_space<hbm>>
        %dma_wait3A_56 = tpu.memref_slice %arg9[%mul3A_31] : memref<16384xf32, #tpu.memory_space<hbm>> -> memref<2048xf32, #tpu.memory_space<hbm>>
        tpu.wait_dma2 semaphore(%run_scoped3A : memref<!tpu.dma_semaphore, #tpu.memory_space<semaphore_mem>>) src(%dma_wait3A_56 : memref<2048xf32, #tpu.memory_space<hbm>>) dst(%arg19 : memref<2048xf32, #tpu.memory_space<vmem>>)
        tpu.yield
      }) : () -> ()
      "tpu.region"() ({
        %run_scoped3A = tpu.sem_alloc : memref<!tpu.dma_semaphore, #tpu.memory_space<semaphore_mem>>
        %dma_start3A = tpu.memref_slice %arg10[%mul3A_31] : memref<16384xf32, #tpu.memory_space<hbm>> -> memref<2048xf32, #tpu.memory_space<hbm>>
        %dma_start3A_55 = tpu.memref_slice %arg10[%mul3A_31] : memref<16384xf32, #tpu.memory_space<hbm>> -> memref<2048xf32, #tpu.memory_space<hbm>>
        tpu.enqueue_dma source(%dma_start3A_55 : memref<2048xf32, #tpu.memory_space<hbm>>) target(%arg20 : memref<2048xf32, #tpu.memory_space<vmem>>) target_semaphore(%run_scoped3A : memref<!tpu.dma_semaphore, #tpu.memory_space<semaphore_mem>>)
        %dma_wait3A = tpu.memref_slice %arg10[%mul3A_31] : memref<16384xf32, #tpu.memory_space<hbm>> -> memref<2048xf32, #tpu.memory_space<hbm>>
        %dma_wait3A_56 = tpu.memref_slice %arg10[%mul3A_31] : memref<16384xf32, #tpu.memory_space<hbm>> -> memref<2048xf32, #tpu.memory_space<hbm>>
        tpu.wait_dma2 semaphore(%run_scoped3A : memref<!tpu.dma_semaphore, #tpu.memory_space<semaphore_mem>>) src(%dma_wait3A_56 : memref<2048xf32, #tpu.memory_space<hbm>>) dst(%arg20 : memref<2048xf32, #tpu.memory_space<vmem>>)
        tpu.yield
      }) : () -> ()
      "tpu.region"() ({
        %run_scoped3A = tpu.sem_alloc : memref<!tpu.dma_semaphore, #tpu.memory_space<semaphore_mem>>
        %dma_start3A = tpu.memref_slice %arg11[%mul3A_31] : memref<16384xf32, #tpu.memory_space<hbm>> -> memref<2048xf32, #tpu.memory_space<hbm>>
        %dma_start3A_55 = tpu.memref_slice %arg11[%mul3A_31] : memref<16384xf32, #tpu.memory_space<hbm>> -> memref<2048xf32, #tpu.memory_space<hbm>>
        tpu.enqueue_dma source(%dma_start3A_55 : memref<2048xf32, #tpu.memory_space<hbm>>) target(%arg21 : memref<2048xf32, #tpu.memory_space<vmem>>) target_semaphore(%run_scoped3A : memref<!tpu.dma_semaphore, #tpu.memory_space<semaphore_mem>>)
        %dma_wait3A = tpu.memref_slice %arg11[%mul3A_31] : memref<16384xf32, #tpu.memory_space<hbm>> -> memref<2048xf32, #tpu.memory_space<hbm>>
        %dma_wait3A_56 = tpu.memref_slice %arg11[%mul3A_31] : memref<16384xf32, #tpu.memory_space<hbm>> -> memref<2048xf32, #tpu.memory_space<hbm>>
        tpu.wait_dma2 semaphore(%run_scoped3A : memref<!tpu.dma_semaphore, #tpu.memory_space<semaphore_mem>>) src(%dma_wait3A_56 : memref<2048xf32, #tpu.memory_space<hbm>>) dst(%arg21 : memref<2048xf32, #tpu.memory_space<vmem>>)
        tpu.yield
      }) : () -> ()
      "tpu.region"() ({
        %run_scoped3A = tpu.sem_alloc : memref<!tpu.dma_semaphore, #tpu.memory_space<semaphore_mem>>
        %dma_start3A = tpu.memref_slice %arg12[%mul3A_31] : memref<16384xf32, #tpu.memory_space<hbm>> -> memref<2048xf32, #tpu.memory_space<hbm>>
        %dma_start3A_55 = tpu.memref_slice %arg12[%mul3A_31] : memref<16384xf32, #tpu.memory_space<hbm>> -> memref<2048xf32, #tpu.memory_space<hbm>>
        tpu.enqueue_dma source(%dma_start3A_55 : memref<2048xf32, #tpu.memory_space<hbm>>) target(%arg22 : memref<2048xf32, #tpu.memory_space<vmem>>) target_semaphore(%run_scoped3A : memref<!tpu.dma_semaphore, #tpu.memory_space<semaphore_mem>>)
        %dma_wait3A = tpu.memref_slice %arg12[%mul3A_31] : memref<16384xf32, #tpu.memory_space<hbm>> -> memref<2048xf32, #tpu.memory_space<hbm>>
        %dma_wait3A_56 = tpu.memref_slice %arg12[%mul3A_31] : memref<16384xf32, #tpu.memory_space<hbm>> -> memref<2048xf32, #tpu.memory_space<hbm>>
        tpu.wait_dma2 semaphore(%run_scoped3A : memref<!tpu.dma_semaphore, #tpu.memory_space<semaphore_mem>>) src(%dma_wait3A_56 : memref<2048xf32, #tpu.memory_space<hbm>>) dst(%arg22 : memref<2048xf32, #tpu.memory_space<vmem>>)
        tpu.yield
      }) : () -> ()
      "tpu.region"() ({
        %run_scoped3A = tpu.sem_alloc : memref<!tpu.dma_semaphore, #tpu.memory_space<semaphore_mem>>
        %dma_start3A = tpu.memref_slice %arg13[%mul3A_31] : memref<16384xf32, #tpu.memory_space<hbm>> -> memref<2048xf32, #tpu.memory_space<hbm>>
        %dma_start3A_55 = tpu.memref_slice %arg13[%mul3A_31] : memref<16384xf32, #tpu.memory_space<hbm>> -> memref<2048xf32, #tpu.memory_space<hbm>>
        tpu.enqueue_dma source(%dma_start3A_55 : memref<2048xf32, #tpu.memory_space<hbm>>) target(%arg23 : memref<2048xf32, #tpu.memory_space<vmem>>) target_semaphore(%run_scoped3A : memref<!tpu.dma_semaphore, #tpu.memory_space<semaphore_mem>>)
        %dma_wait3A = tpu.memref_slice %arg13[%mul3A_31] : memref<16384xf32, #tpu.memory_space<hbm>> -> memref<2048xf32, #tpu.memory_space<hbm>>
        %dma_wait3A_56 = tpu.memref_slice %arg13[%mul3A_31] : memref<16384xf32, #tpu.memory_space<hbm>> -> memref<2048xf32, #tpu.memory_space<hbm>>
        tpu.wait_dma2 semaphore(%run_scoped3A : memref<!tpu.dma_semaphore, #tpu.memory_space<semaphore_mem>>) src(%dma_wait3A_56 : memref<2048xf32, #tpu.memory_space<hbm>>) dst(%arg23 : memref<2048xf32, #tpu.memory_space<vmem>>)
        tpu.yield
      }) : () -> ()
      "tpu.region"() ({
        %run_scoped3A = tpu.sem_alloc : memref<!tpu.dma_semaphore, #tpu.memory_space<semaphore_mem>>
        %dma_start3A = tpu.memref_slice %arg2[%add3A_32] : memref<16384xf32, #tpu.memory_space<hbm>> -> memref<1024xf32, #tpu.memory_space<hbm>>
        %dma_start3A_55 = tpu.memref_slice %arg2[%add3A_32] : memref<16384xf32, #tpu.memory_space<hbm>> -> memref<1024xf32, #tpu.memory_space<hbm>>
        tpu.enqueue_dma source(%dma_start3A_55 : memref<1024xf32, #tpu.memory_space<hbm>>) target(%arg24 : memref<1024xf32, #tpu.memory_space<vmem>>) target_semaphore(%run_scoped3A : memref<!tpu.dma_semaphore, #tpu.memory_space<semaphore_mem>>)
        %dma_wait3A = tpu.memref_slice %arg2[%add3A_32] : memref<16384xf32, #tpu.memory_space<hbm>> -> memref<1024xf32, #tpu.memory_space<hbm>>
        %dma_wait3A_56 = tpu.memref_slice %arg2[%add3A_32] : memref<16384xf32, #tpu.memory_space<hbm>> -> memref<1024xf32, #tpu.memory_space<hbm>>
        tpu.wait_dma2 semaphore(%run_scoped3A : memref<!tpu.dma_semaphore, #tpu.memory_space<semaphore_mem>>) src(%dma_wait3A_56 : memref<1024xf32, #tpu.memory_space<hbm>>) dst(%arg24 : memref<1024xf32, #tpu.memory_space<vmem>>)
        tpu.yield
      }) : () -> ()
      "tpu.region"() ({
        %run_scoped3A = tpu.sem_alloc : memref<!tpu.dma_semaphore, #tpu.memory_space<semaphore_mem>>
        %dma_start3A = tpu.memref_slice %arg3[%add3A_32] : memref<16384xf32, #tpu.memory_space<hbm>> -> memref<1024xf32, #tpu.memory_space<hbm>>
        %dma_start3A_55 = tpu.memref_slice %arg3[%add3A_32] : memref<16384xf32, #tpu.memory_space<hbm>> -> memref<1024xf32, #tpu.memory_space<hbm>>
        tpu.enqueue_dma source(%dma_start3A_55 : memref<1024xf32, #tpu.memory_space<hbm>>) target(%arg25 : memref<1024xf32, #tpu.memory_space<vmem>>) target_semaphore(%run_scoped3A : memref<!tpu.dma_semaphore, #tpu.memory_space<semaphore_mem>>)
        %dma_wait3A = tpu.memref_slice %arg3[%add3A_32] : memref<16384xf32, #tpu.memory_space<hbm>> -> memref<1024xf32, #tpu.memory_space<hbm>>
        %dma_wait3A_56 = tpu.memref_slice %arg3[%add3A_32] : memref<16384xf32, #tpu.memory_space<hbm>> -> memref<1024xf32, #tpu.memory_space<hbm>>
        tpu.wait_dma2 semaphore(%run_scoped3A : memref<!tpu.dma_semaphore, #tpu.memory_space<semaphore_mem>>) src(%dma_wait3A_56 : memref<1024xf32, #tpu.memory_space<hbm>>) dst(%arg25 : memref<1024xf32, #tpu.memory_space<vmem>>)
        tpu.yield
      }) : () -> ()
      "tpu.region"() ({
        %run_scoped3A = tpu.sem_alloc : memref<!tpu.dma_semaphore, #tpu.memory_space<semaphore_mem>>
        %dma_start3A = tpu.memref_slice %arg4[%add3A_32] : memref<16384xf32, #tpu.memory_space<hbm>> -> memref<1024xf32, #tpu.memory_space<hbm>>
        %dma_start3A_55 = tpu.memref_slice %arg4[%add3A_32] : memref<16384xf32, #tpu.memory_space<hbm>> -> memref<1024xf32, #tpu.memory_space<hbm>>
        tpu.enqueue_dma source(%dma_start3A_55 : memref<1024xf32, #tpu.memory_space<hbm>>) target(%arg26 : memref<1024xf32, #tpu.memory_space<vmem>>) target_semaphore(%run_scoped3A : memref<!tpu.dma_semaphore, #tpu.memory_space<semaphore_mem>>)
        %dma_wait3A = tpu.memref_slice %arg4[%add3A_32] : memref<16384xf32, #tpu.memory_space<hbm>> -> memref<1024xf32, #tpu.memory_space<hbm>>
        %dma_wait3A_56 = tpu.memref_slice %arg4[%add3A_32] : memref<16384xf32, #tpu.memory_space<hbm>> -> memref<1024xf32, #tpu.memory_space<hbm>>
        tpu.wait_dma2 semaphore(%run_scoped3A : memref<!tpu.dma_semaphore, #tpu.memory_space<semaphore_mem>>) src(%dma_wait3A_56 : memref<1024xf32, #tpu.memory_space<hbm>>) dst(%arg26 : memref<1024xf32, #tpu.memory_space<vmem>>)
        tpu.yield
      }) : () -> ()
      "tpu.region"() ({
        %run_scoped3A = tpu.sem_alloc : memref<!tpu.dma_semaphore, #tpu.memory_space<semaphore_mem>>
        %dma_start3A = tpu.memref_slice %arg14[%add3A_32] : memref<16384xi32, #tpu.memory_space<hbm>> -> memref<1024xi32, #tpu.memory_space<hbm>>
        %dma_start3A_55 = tpu.memref_slice %arg14[%add3A_32] : memref<16384xi32, #tpu.memory_space<hbm>> -> memref<1024xi32, #tpu.memory_space<hbm>>
        tpu.enqueue_dma source(%dma_start3A_55 : memref<1024xi32, #tpu.memory_space<hbm>>) target(%arg27 : memref<1024xi32, #tpu.memory_space<vmem>>) target_semaphore(%run_scoped3A : memref<!tpu.dma_semaphore, #tpu.memory_space<semaphore_mem>>)
        %dma_wait3A = tpu.memref_slice %arg14[%add3A_32] : memref<16384xi32, #tpu.memory_space<hbm>> -> memref<1024xi32, #tpu.memory_space<hbm>>
        %dma_wait3A_56 = tpu.memref_slice %arg14[%add3A_32] : memref<16384xi32, #tpu.memory_space<hbm>> -> memref<1024xi32, #tpu.memory_space<hbm>>
        tpu.wait_dma2 semaphore(%run_scoped3A : memref<!tpu.dma_semaphore, #tpu.memory_space<semaphore_mem>>) src(%dma_wait3A_56 : memref<1024xi32, #tpu.memory_space<hbm>>) dst(%arg27 : memref<1024xi32, #tpu.memory_space<vmem>>)
        tpu.yield
      }) : () -> ()
    } else {
    }
    %eq3A_36 = arith.constant 1 : i32
    %eq3A_37 = arith.cmpi eq, %arg0, %eq3A_36 : i32
    %convert_element_type3A_38 = arith.extui %eq3A_37 : i1 to i32
    %cond3A_39 = arith.constant 0 : i32
    %cond3A_40 = arith.cmpi ne, %convert_element_type3A_38, %cond3A_39 : i32
    scf.if %cond3A_40 {
      "tpu.region"() ({
        %run_scoped3A = tpu.sem_alloc : memref<!tpu.dma_semaphore, #tpu.memory_space<semaphore_mem>>
        %dma_start3A = tpu.memref_slice %arg2[%mul3A_31] : memref<16384xf32, #tpu.memory_space<hbm>> -> memref<2048xf32, #tpu.memory_space<hbm>>
        %dma_start3A_55 = tpu.memref_slice %arg2[%mul3A_31] : memref<16384xf32, #tpu.memory_space<hbm>> -> memref<2048xf32, #tpu.memory_space<hbm>>
        tpu.enqueue_dma source(%dma_start3A_55 : memref<2048xf32, #tpu.memory_space<hbm>>) target(%arg18 : memref<2048xf32, #tpu.memory_space<vmem>>) target_semaphore(%run_scoped3A : memref<!tpu.dma_semaphore, #tpu.memory_space<semaphore_mem>>)
        %dma_wait3A = tpu.memref_slice %arg2[%mul3A_31] : memref<16384xf32, #tpu.memory_space<hbm>> -> memref<2048xf32, #tpu.memory_space<hbm>>
        %dma_wait3A_56 = tpu.memref_slice %arg2[%mul3A_31] : memref<16384xf32, #tpu.memory_space<hbm>> -> memref<2048xf32, #tpu.memory_space<hbm>>
        tpu.wait_dma2 semaphore(%run_scoped3A : memref<!tpu.dma_semaphore, #tpu.memory_space<semaphore_mem>>) src(%dma_wait3A_56 : memref<2048xf32, #tpu.memory_space<hbm>>) dst(%arg18 : memref<2048xf32, #tpu.memory_space<vmem>>)
        tpu.yield
      }) : () -> ()
      "tpu.region"() ({
        %run_scoped3A = tpu.sem_alloc : memref<!tpu.dma_semaphore, #tpu.memory_space<semaphore_mem>>
        %dma_start3A = tpu.memref_slice %arg3[%mul3A_31] : memref<16384xf32, #tpu.memory_space<hbm>> -> memref<2048xf32, #tpu.memory_space<hbm>>
        %dma_start3A_55 = tpu.memref_slice %arg3[%mul3A_31] : memref<16384xf32, #tpu.memory_space<hbm>> -> memref<2048xf32, #tpu.memory_space<hbm>>
        tpu.enqueue_dma source(%dma_start3A_55 : memref<2048xf32, #tpu.memory_space<hbm>>) target(%arg19 : memref<2048xf32, #tpu.memory_space<vmem>>) target_semaphore(%run_scoped3A : memref<!tpu.dma_semaphore, #tpu.memory_space<semaphore_mem>>)
        %dma_wait3A = tpu.memref_slice %arg3[%mul3A_31] : memref<16384xf32, #tpu.memory_space<hbm>> -> memref<2048xf32, #tpu.memory_space<hbm>>
        %dma_wait3A_56 = tpu.memref_slice %arg3[%mul3A_31] : memref<16384xf32, #tpu.memory_space<hbm>> -> memref<2048xf32, #tpu.memory_space<hbm>>
        tpu.wait_dma2 semaphore(%run_scoped3A : memref<!tpu.dma_semaphore, #tpu.memory_space<semaphore_mem>>) src(%dma_wait3A_56 : memref<2048xf32, #tpu.memory_space<hbm>>) dst(%arg19 : memref<2048xf32, #tpu.memory_space<vmem>>)
        tpu.yield
      }) : () -> ()
      "tpu.region"() ({
        %run_scoped3A = tpu.sem_alloc : memref<!tpu.dma_semaphore, #tpu.memory_space<semaphore_mem>>
        %dma_start3A = tpu.memref_slice %arg4[%mul3A_31] : memref<16384xf32, #tpu.memory_space<hbm>> -> memref<2048xf32, #tpu.memory_space<hbm>>
        %dma_start3A_55 = tpu.memref_slice %arg4[%mul3A_31] : memref<16384xf32, #tpu.memory_space<hbm>> -> memref<2048xf32, #tpu.memory_space<hbm>>
        tpu.enqueue_dma source(%dma_start3A_55 : memref<2048xf32, #tpu.memory_space<hbm>>) target(%arg20 : memref<2048xf32, #tpu.memory_space<vmem>>) target_semaphore(%run_scoped3A : memref<!tpu.dma_semaphore, #tpu.memory_space<semaphore_mem>>)
        %dma_wait3A = tpu.memref_slice %arg4[%mul3A_31] : memref<16384xf32, #tpu.memory_space<hbm>> -> memref<2048xf32, #tpu.memory_space<hbm>>
        %dma_wait3A_56 = tpu.memref_slice %arg4[%mul3A_31] : memref<16384xf32, #tpu.memory_space<hbm>> -> memref<2048xf32, #tpu.memory_space<hbm>>
        tpu.wait_dma2 semaphore(%run_scoped3A : memref<!tpu.dma_semaphore, #tpu.memory_space<semaphore_mem>>) src(%dma_wait3A_56 : memref<2048xf32, #tpu.memory_space<hbm>>) dst(%arg20 : memref<2048xf32, #tpu.memory_space<vmem>>)
        tpu.yield
      }) : () -> ()
      "tpu.region"() ({
        %run_scoped3A = tpu.sem_alloc : memref<!tpu.dma_semaphore, #tpu.memory_space<semaphore_mem>>
        %dma_start3A = tpu.memref_slice %arg5[%mul3A_31] : memref<16384xf32, #tpu.memory_space<hbm>> -> memref<2048xf32, #tpu.memory_space<hbm>>
        %dma_start3A_55 = tpu.memref_slice %arg5[%mul3A_31] : memref<16384xf32, #tpu.memory_space<hbm>> -> memref<2048xf32, #tpu.memory_space<hbm>>
        tpu.enqueue_dma source(%dma_start3A_55 : memref<2048xf32, #tpu.memory_space<hbm>>) target(%arg21 : memref<2048xf32, #tpu.memory_space<vmem>>) target_semaphore(%run_scoped3A : memref<!tpu.dma_semaphore, #tpu.memory_space<semaphore_mem>>)
        %dma_wait3A = tpu.memref_slice %arg5[%mul3A_31] : memref<16384xf32, #tpu.memory_space<hbm>> -> memref<2048xf32, #tpu.memory_space<hbm>>
        %dma_wait3A_56 = tpu.memref_slice %arg5[%mul3A_31] : memref<16384xf32, #tpu.memory_space<hbm>> -> memref<2048xf32, #tpu.memory_space<hbm>>
        tpu.wait_dma2 semaphore(%run_scoped3A : memref<!tpu.dma_semaphore, #tpu.memory_space<semaphore_mem>>) src(%dma_wait3A_56 : memref<2048xf32, #tpu.memory_space<hbm>>) dst(%arg21 : memref<2048xf32, #tpu.memory_space<vmem>>)
        tpu.yield
      }) : () -> ()
      "tpu.region"() ({
        %run_scoped3A = tpu.sem_alloc : memref<!tpu.dma_semaphore, #tpu.memory_space<semaphore_mem>>
        %dma_start3A = tpu.memref_slice %arg6[%mul3A_31] : memref<16384xf32, #tpu.memory_space<hbm>> -> memref<2048xf32, #tpu.memory_space<hbm>>
        %dma_start3A_55 = tpu.memref_slice %arg6[%mul3A_31] : memref<16384xf32, #tpu.memory_space<hbm>> -> memref<2048xf32, #tpu.memory_space<hbm>>
        tpu.enqueue_dma source(%dma_start3A_55 : memref<2048xf32, #tpu.memory_space<hbm>>) target(%arg22 : memref<2048xf32, #tpu.memory_space<vmem>>) target_semaphore(%run_scoped3A : memref<!tpu.dma_semaphore, #tpu.memory_space<semaphore_mem>>)
        %dma_wait3A = tpu.memref_slice %arg6[%mul3A_31] : memref<16384xf32, #tpu.memory_space<hbm>> -> memref<2048xf32, #tpu.memory_space<hbm>>
        %dma_wait3A_56 = tpu.memref_slice %arg6[%mul3A_31] : memref<16384xf32, #tpu.memory_space<hbm>> -> memref<2048xf32, #tpu.memory_space<hbm>>
        tpu.wait_dma2 semaphore(%run_scoped3A : memref<!tpu.dma_semaphore, #tpu.memory_space<semaphore_mem>>) src(%dma_wait3A_56 : memref<2048xf32, #tpu.memory_space<hbm>>) dst(%arg22 : memref<2048xf32, #tpu.memory_space<vmem>>)
        tpu.yield
      }) : () -> ()
      "tpu.region"() ({
        %run_scoped3A = tpu.sem_alloc : memref<!tpu.dma_semaphore, #tpu.memory_space<semaphore_mem>>
        %dma_start3A = tpu.memref_slice %arg7[%mul3A_31] : memref<16384xf32, #tpu.memory_space<hbm>> -> memref<2048xf32, #tpu.memory_space<hbm>>
        %dma_start3A_55 = tpu.memref_slice %arg7[%mul3A_31] : memref<16384xf32, #tpu.memory_space<hbm>> -> memref<2048xf32, #tpu.memory_space<hbm>>
        tpu.enqueue_dma source(%dma_start3A_55 : memref<2048xf32, #tpu.memory_space<hbm>>) target(%arg23 : memref<2048xf32, #tpu.memory_space<vmem>>) target_semaphore(%run_scoped3A : memref<!tpu.dma_semaphore, #tpu.memory_space<semaphore_mem>>)
        %dma_wait3A = tpu.memref_slice %arg7[%mul3A_31] : memref<16384xf32, #tpu.memory_space<hbm>> -> memref<2048xf32, #tpu.memory_space<hbm>>
        %dma_wait3A_56 = tpu.memref_slice %arg7[%mul3A_31] : memref<16384xf32, #tpu.memory_space<hbm>> -> memref<2048xf32, #tpu.memory_space<hbm>>
        tpu.wait_dma2 semaphore(%run_scoped3A : memref<!tpu.dma_semaphore, #tpu.memory_space<semaphore_mem>>) src(%dma_wait3A_56 : memref<2048xf32, #tpu.memory_space<hbm>>) dst(%arg23 : memref<2048xf32, #tpu.memory_space<vmem>>)
        tpu.yield
      }) : () -> ()
      "tpu.region"() ({
        %run_scoped3A = tpu.sem_alloc : memref<!tpu.dma_semaphore, #tpu.memory_space<semaphore_mem>>
        %dma_start3A = tpu.memref_slice %arg8[%add3A_32] : memref<16384xf32, #tpu.memory_space<hbm>> -> memref<1024xf32, #tpu.memory_space<hbm>>
        %dma_start3A_55 = tpu.memref_slice %arg8[%add3A_32] : memref<16384xf32, #tpu.memory_space<hbm>> -> memref<1024xf32, #tpu.memory_space<hbm>>
        tpu.enqueue_dma source(%dma_start3A_55 : memref<1024xf32, #tpu.memory_space<hbm>>) target(%arg24 : memref<1024xf32, #tpu.memory_space<vmem>>) target_semaphore(%run_scoped3A : memref<!tpu.dma_semaphore, #tpu.memory_space<semaphore_mem>>)
        %dma_wait3A = tpu.memref_slice %arg8[%add3A_32] : memref<16384xf32, #tpu.memory_space<hbm>> -> memref<1024xf32, #tpu.memory_space<hbm>>
        %dma_wait3A_56 = tpu.memref_slice %arg8[%add3A_32] : memref<16384xf32, #tpu.memory_space<hbm>> -> memref<1024xf32, #tpu.memory_space<hbm>>
        tpu.wait_dma2 semaphore(%run_scoped3A : memref<!tpu.dma_semaphore, #tpu.memory_space<semaphore_mem>>) src(%dma_wait3A_56 : memref<1024xf32, #tpu.memory_space<hbm>>) dst(%arg24 : memref<1024xf32, #tpu.memory_space<vmem>>)
        tpu.yield
      }) : () -> ()
      "tpu.region"() ({
        %run_scoped3A = tpu.sem_alloc : memref<!tpu.dma_semaphore, #tpu.memory_space<semaphore_mem>>
        %dma_start3A = tpu.memref_slice %arg9[%add3A_32] : memref<16384xf32, #tpu.memory_space<hbm>> -> memref<1024xf32, #tpu.memory_space<hbm>>
        %dma_start3A_55 = tpu.memref_slice %arg9[%add3A_32] : memref<16384xf32, #tpu.memory_space<hbm>> -> memref<1024xf32, #tpu.memory_space<hbm>>
        tpu.enqueue_dma source(%dma_start3A_55 : memref<1024xf32, #tpu.memory_space<hbm>>) target(%arg25 : memref<1024xf32, #tpu.memory_space<vmem>>) target_semaphore(%run_scoped3A : memref<!tpu.dma_semaphore, #tpu.memory_space<semaphore_mem>>)
        %dma_wait3A = tpu.memref_slice %arg9[%add3A_32] : memref<16384xf32, #tpu.memory_space<hbm>> -> memref<1024xf32, #tpu.memory_space<hbm>>
        %dma_wait3A_56 = tpu.memref_slice %arg9[%add3A_32] : memref<16384xf32, #tpu.memory_space<hbm>> -> memref<1024xf32, #tpu.memory_space<hbm>>
        tpu.wait_dma2 semaphore(%run_scoped3A : memref<!tpu.dma_semaphore, #tpu.memory_space<semaphore_mem>>) src(%dma_wait3A_56 : memref<1024xf32, #tpu.memory_space<hbm>>) dst(%arg25 : memref<1024xf32, #tpu.memory_space<vmem>>)
        tpu.yield
      }) : () -> ()
      "tpu.region"() ({
        %run_scoped3A = tpu.sem_alloc : memref<!tpu.dma_semaphore, #tpu.memory_space<semaphore_mem>>
        %dma_start3A = tpu.memref_slice %arg10[%add3A_32] : memref<16384xf32, #tpu.memory_space<hbm>> -> memref<1024xf32, #tpu.memory_space<hbm>>
        %dma_start3A_55 = tpu.memref_slice %arg10[%add3A_32] : memref<16384xf32, #tpu.memory_space<hbm>> -> memref<1024xf32, #tpu.memory_space<hbm>>
        tpu.enqueue_dma source(%dma_start3A_55 : memref<1024xf32, #tpu.memory_space<hbm>>) target(%arg26 : memref<1024xf32, #tpu.memory_space<vmem>>) target_semaphore(%run_scoped3A : memref<!tpu.dma_semaphore, #tpu.memory_space<semaphore_mem>>)
        %dma_wait3A = tpu.memref_slice %arg10[%add3A_32] : memref<16384xf32, #tpu.memory_space<hbm>> -> memref<1024xf32, #tpu.memory_space<hbm>>
        %dma_wait3A_56 = tpu.memref_slice %arg10[%add3A_32] : memref<16384xf32, #tpu.memory_space<hbm>> -> memref<1024xf32, #tpu.memory_space<hbm>>
        tpu.wait_dma2 semaphore(%run_scoped3A : memref<!tpu.dma_semaphore, #tpu.memory_space<semaphore_mem>>) src(%dma_wait3A_56 : memref<1024xf32, #tpu.memory_space<hbm>>) dst(%arg26 : memref<1024xf32, #tpu.memory_space<vmem>>)
        tpu.yield
      }) : () -> ()
      "tpu.region"() ({
        %run_scoped3A = tpu.sem_alloc : memref<!tpu.dma_semaphore, #tpu.memory_space<semaphore_mem>>
        %dma_start3A = tpu.memref_slice %arg15[%add3A_32] : memref<16384xi32, #tpu.memory_space<hbm>> -> memref<1024xi32, #tpu.memory_space<hbm>>
        %dma_start3A_55 = tpu.memref_slice %arg15[%add3A_32] : memref<16384xi32, #tpu.memory_space<hbm>> -> memref<1024xi32, #tpu.memory_space<hbm>>
        tpu.enqueue_dma source(%dma_start3A_55 : memref<1024xi32, #tpu.memory_space<hbm>>) target(%arg27 : memref<1024xi32, #tpu.memory_space<vmem>>) target_semaphore(%run_scoped3A : memref<!tpu.dma_semaphore, #tpu.memory_space<semaphore_mem>>)
        %dma_wait3A = tpu.memref_slice %arg15[%add3A_32] : memref<16384xi32, #tpu.memory_space<hbm>> -> memref<1024xi32, #tpu.memory_space<hbm>>
        %dma_wait3A_56 = tpu.memref_slice %arg15[%add3A_32] : memref<16384xi32, #tpu.memory_space<hbm>> -> memref<1024xi32, #tpu.memory_space<hbm>>
        tpu.wait_dma2 semaphore(%run_scoped3A : memref<!tpu.dma_semaphore, #tpu.memory_space<semaphore_mem>>) src(%dma_wait3A_56 : memref<1024xi32, #tpu.memory_space<hbm>>) dst(%arg27 : memref<1024xi32, #tpu.memory_space<vmem>>)
        tpu.yield
      }) : () -> ()
    } else {
    }
    %scan3A = arith.constant 0 : i32
    %scan3A_41 = arith.constant 64 : i32
    %scan3A_42 = arith.addi %scan3A, %scan3A_41 : i32
    %scan3A_43 = arith.constant 1 : i32
    scf.for %scan3A_55 = %scan3A to %scan3A_42 step %scan3A_43  : i32 {
      %mul3A_56 = arith.constant 16 : i32
      %mul3A_57 = arith.muli %scan3A_55, %mul3A_56 : i32
      %get3A = arith.index_cast %mul3A_57 : i32 to index
      %get3A_58 = tpu.vector_load %arg27[%get3A] {strides = array<i32>} : memref<1024xi32, #tpu.memory_space<vmem>>, vector<16xi32>,
      %gather3A = tpu.vector_load_idx %arg18[%get3A_58] : memref<2048xf32, #tpu.memory_space<vmem>>[vector<16xi32>], vector<16xf32>,
      %gather3A_59 = tpu.vector_load_idx %arg19[%get3A_58] : memref<2048xf32, #tpu.memory_space<vmem>>[vector<16xi32>], vector<16xf32>,
      %gather3A_60 = tpu.vector_load_idx %arg20[%get3A_58] : memref<2048xf32, #tpu.memory_space<vmem>>[vector<16xi32>], vector<16xf32>,
      %gather3A_61 = tpu.vector_load_idx %arg21[%get3A_58] : memref<2048xf32, #tpu.memory_space<vmem>>[vector<16xi32>], vector<16xf32>,
      %gather3A_62 = tpu.vector_load_idx %arg22[%get3A_58] : memref<2048xf32, #tpu.memory_space<vmem>>[vector<16xi32>], vector<16xf32>,
      %gather3A_63 = tpu.vector_load_idx %arg23[%get3A_58] : memref<2048xf32, #tpu.memory_space<vmem>>[vector<16xi32>], vector<16xf32>,
      %get3A_64 = arith.index_cast %mul3A_57 : i32 to index
      %get3A_65 = tpu.vector_load %arg24[%get3A_64] {strides = array<i32>} : memref<1024xf32, #tpu.memory_space<vmem>>, vector<16xf32>,
      %sub3A_66 = arith.subf %get3A_65, %gather3A : vector<16xf32>
      %get3A_67 = arith.index_cast %mul3A_57 : i32 to index
      %get3A_68 = tpu.vector_load %arg25[%get3A_67] {strides = array<i32>} : memref<1024xf32, #tpu.memory_space<vmem>>, vector<16xf32>,
      %sub3A_69 = arith.subf %get3A_68, %gather3A_59 : vector<16xf32>
      %get3A_70 = arith.index_cast %mul3A_57 : i32 to index
      %get3A_71 = tpu.vector_load %arg26[%get3A_70] {strides = array<i32>} : memref<1024xf32, #tpu.memory_space<vmem>>, vector<16xf32>,
      %sub3A_72 = arith.subf %get3A_71, %gather3A_60 : vector<16xf32>
      %mul3A_73 = arith.mulf %sub3A_66, %sub3A_66 : vector<16xf32>
      %mul3A_74 = arith.mulf %sub3A_69, %sub3A_69 : vector<16xf32>
      %add3A_75 = arith.addf %mul3A_73, %mul3A_74 : vector<16xf32>
      %mul3A_76 = arith.mulf %sub3A_72, %sub3A_72 : vector<16xf32>
      %add3A_77 = arith.addf %add3A_75, %mul3A_76 : vector<16xf32>
      %mul3A_78 = arith.mulf %gather3A_61, %sub3A_66 : vector<16xf32>
      %mul3A_79 = arith.mulf %gather3A_62, %sub3A_69 : vector<16xf32>
      %add3A_80 = arith.addf %mul3A_78, %mul3A_79 : vector<16xf32>
      %mul3A_81 = arith.mulf %gather3A_63, %sub3A_72 : vector<16xf32>
      %add3A_82 = arith.addf %add3A_80, %mul3A_81 : vector<16xf32>
      %bitcast3A = vector.bitcast %add3A_77 : vector<16xf32> to vector<16xi32>
      %shift_right_arithmetic3A = arith.constant 1 : i32
      %shift_right_arithmetic3A_83 = vector.broadcast %shift_right_arithmetic3A : i32 to vector<16xi32>
      %shift_right_arithmetic3A_84 = arith.shrsi %bitcast3A, %shift_right_arithmetic3A_83 : vector<16xi32>
      %sub3A_85 = arith.constant 1597463007 : i32
      %sub3A_86 = vector.broadcast %sub3A_85 : i32 to vector<16xi32>
      %sub3A_87 = arith.subi %sub3A_86, %shift_right_arithmetic3A_84 : vector<16xi32>
      %bitcast3A_88 = vector.bitcast %sub3A_87 : vector<16xi32> to vector<16xf32>
      %mul3A_89 = arith.constant 5.000000e-01 : f32
      %mul3A_90 = vector.broadcast %mul3A_89 : f32 to vector<16xf32>
      %mul3A_91 = arith.mulf %mul3A_90, %add3A_77 : vector<16xf32>
      %mul3A_92 = arith.mulf %mul3A_91, %bitcast3A_88 : vector<16xf32>
      %mul3A_93 = arith.mulf %mul3A_92, %bitcast3A_88 : vector<16xf32>
      %sub3A_94 = arith.constant 1.500000e+00 : f32
      %sub3A_95 = vector.broadcast %sub3A_94 : f32 to vector<16xf32>
      %sub3A_96 = arith.subf %sub3A_95, %mul3A_93 : vector<16xf32>
      %mul3A_97 = arith.mulf %bitcast3A_88, %sub3A_96 : vector<16xf32>
      %mul3A_98 = arith.mulf %mul3A_91, %mul3A_97 : vector<16xf32>
      %mul3A_99 = arith.mulf %mul3A_98, %mul3A_97 : vector<16xf32>
      %sub3A_100 = arith.constant 1.500000e+00 : f32
      %sub3A_101 = vector.broadcast %sub3A_100 : f32 to vector<16xf32>
      %sub3A_102 = arith.subf %sub3A_101, %mul3A_99 : vector<16xf32>
      %mul3A_103 = arith.mulf %mul3A_97, %sub3A_102 : vector<16xf32>
      %mul3A_104 = arith.mulf %mul3A_91, %mul3A_103 : vector<16xf32>
      %mul3A_105 = arith.mulf %mul3A_104, %mul3A_103 : vector<16xf32>
      %sub3A_106 = arith.constant 1.500000e+00 : f32
      %sub3A_107 = vector.broadcast %sub3A_106 : f32 to vector<16xf32>
      %sub3A_108 = arith.subf %sub3A_107, %mul3A_105 : vector<16xf32>
      %mul3A_109 = arith.mulf %mul3A_103, %sub3A_108 : vector<16xf32>
      %mul3A_110 = arith.mulf %add3A_77, %mul3A_109 : vector<16xf32>
      %sign3A_111 = tpu.bitcast %add3A_82 : vector<16xf32> -> vector<16xi32>
      %sign3A_112 = arith.constant -2147483648 : i32
      %sign3A_113 = vector.broadcast %sign3A_112 : i32 to vector<16xi32>
      %sign3A_114 = arith.andi %sign3A_111, %sign3A_113 : vector<16xi32>
      %sign3A_115 = arith.constant 1065353216 : i32
      %sign3A_116 = vector.broadcast %sign3A_115 : i32 to vector<16xi32>
      %sign3A_117 = arith.ori %sign3A_116, %sign3A_114 : vector<16xi32>
      %sign3A_118 = tpu.bitcast %sign3A_117 : vector<16xi32> -> vector<16xf32>
      %sign3A_119 = math.absf %add3A_82 : vector<16xf32>
      %sign3A_120 = arith.constant 0.000000e+00 : f32
      %sign3A_121 = vector.broadcast %sign3A_120 : f32 to vector<16xf32>
      %sign3A_122 = arith.cmpf ogt, %sign3A_119, %sign3A_121 : vector<16xf32>
      %sign3A_123 = arith.select %sign3A_122, %sign3A_118, %add3A_82 : vector<16xi1>, vector<16xf32>
      %mul3A_124 = arith.mulf %mul3A_110, %sign3A_123 : vector<16xf32>
      %swap3A = arith.index_cast %mul3A_57 : i32 to index
      %swap3A_125 = tpu.vector_load %arg28[%swap3A] {strides = array<i32>} : memref<1024xf32, #tpu.memory_space<vmem>>, vector<16xf32>,
      tpu.vector_store %arg28[%swap3A], %mul3A_124 {strides = array<i32>} : memref<1024xf32, #tpu.memory_space<vmem>>, vector<16xf32>,
    }
    %scan3A_44 = arith.constant 64 : i32
    %eq3A_45 = arith.constant 0 : i32
    %eq3A_46 = arith.cmpi eq, %arg0, %eq3A_45 : i32
    %convert_element_type3A_47 = arith.extui %eq3A_46 : i1 to i32
    %cond3A_48 = arith.constant 0 : i32
    %cond3A_49 = arith.cmpi ne, %convert_element_type3A_47, %cond3A_48 : i32
    scf.if %cond3A_49 {
      "tpu.region"() ({
        %run_scoped3A = tpu.sem_alloc : memref<!tpu.dma_semaphore, #tpu.memory_space<semaphore_mem>>
        %dma_start3A = tpu.memref_slice %arg16[%add3A_32] : memref<16384xf32, #tpu.memory_space<hbm>> -> memref<1024xf32, #tpu.memory_space<hbm>>
        %dma_start3A_55 = tpu.memref_slice %arg16[%add3A_32] : memref<16384xf32, #tpu.memory_space<hbm>> -> memref<1024xf32, #tpu.memory_space<hbm>>
        tpu.enqueue_dma source(%arg28 : memref<1024xf32, #tpu.memory_space<vmem>>) target(%dma_start3A_55 : memref<1024xf32, #tpu.memory_space<hbm>>) target_semaphore(%run_scoped3A : memref<!tpu.dma_semaphore, #tpu.memory_space<semaphore_mem>>)
        %dma_wait3A = tpu.memref_slice %arg16[%add3A_32] : memref<16384xf32, #tpu.memory_space<hbm>> -> memref<1024xf32, #tpu.memory_space<hbm>>
        %dma_wait3A_56 = tpu.memref_slice %arg16[%add3A_32] : memref<16384xf32, #tpu.memory_space<hbm>> -> memref<1024xf32, #tpu.memory_space<hbm>>
        tpu.wait_dma2 semaphore(%run_scoped3A : memref<!tpu.dma_semaphore, #tpu.memory_space<semaphore_mem>>) src(%arg28 : memref<1024xf32, #tpu.memory_space<vmem>>) dst(%dma_wait3A_56 : memref<1024xf32, #tpu.memory_space<hbm>>)
        tpu.yield
      }) : () -> ()
    } else {
    }
    %eq3A_50 = arith.constant 1 : i32
    %eq3A_51 = arith.cmpi eq, %arg0, %eq3A_50 : i32
    %convert_element_type3A_52 = arith.extui %eq3A_51 : i1 to i32
    %cond3A_53 = arith.constant 0 : i32
    %cond3A_54 = arith.cmpi ne, %convert_element_type3A_52, %cond3A_53 : i32
    scf.if %cond3A_54 {
      "tpu.region"() ({
        %run_scoped3A = tpu.sem_alloc : memref<!tpu.dma_semaphore, #tpu.memory_space<semaphore_mem>>
        %dma_start3A = tpu.memref_slice %arg17[%add3A_32] : memref<16384xf32, #tpu.memory_space<hbm>> -> memref<1024xf32, #tpu.memory_space<hbm>>
        %dma_start3A_55 = tpu.memref_slice %arg17[%add3A_32] : memref<16384xf32, #tpu.memory_space<hbm>> -> memref<1024xf32, #tpu.memory_space<hbm>>
        tpu.enqueue_dma source(%arg28 : memref<1024xf32, #tpu.memory_space<vmem>>) target(%dma_start3A_55 : memref<1024xf32, #tpu.memory_space<hbm>>) target_semaphore(%run_scoped3A : memref<!tpu.dma_semaphore, #tpu.memory_space<semaphore_mem>>)
        %dma_wait3A = tpu.memref_slice %arg17[%add3A_32] : memref<16384xf32, #tpu.memory_space<hbm>> -> memref<1024xf32, #tpu.memory_space<hbm>>
        %dma_wait3A_56 = tpu.memref_slice %arg17[%add3A_32] : memref<16384xf32, #tpu.memory_space<hbm>> -> memref<1024xf32, #tpu.memory_space<hbm>>
        tpu.wait_dma2 semaphore(%run_scoped3A : memref<!tpu.dma_semaphore, #tpu.memory_space<semaphore_mem>>) src(%arg28 : memref<1024xf32, #tpu.memory_space<vmem>>) dst(%dma_wait3A_56 : memref<1024xf32, #tpu.memory_space<hbm>>)
        tpu.yield
      }) : () -> ()
    } else {
    }
    return
  }
}

module attributes {stable_mosaic.version = 14 : i64} {
  func.func @_argmin_kernel(%arg0: i32, %arg1: memref<1x2048x3xf32, #tpu.memory_space<vmem>>, %arg2: memref<1x3x2048xf32, #tpu.memory_space<vmem>>, %arg3: memref<1x1x2048xi32, #tpu.memory_space<vmem>>, %arg4: memref<1x1x2048xi32, #tpu.memory_space<vmem>>) attributes {dimension_semantics = [#tpu.dimension_semantics<arbitrary>], iteration_bounds = array<i64: 8>, scalar_prefetch = 0 : i64, scratch_operands = 0 : i64, tpu.core_type = #tpu.core_type<tc>, window_params = [{transform_indices = @transform_0, window_bounds = array<i64: 1, 2048, 3>}, {transform_indices = @transform_1, window_bounds = array<i64: 1, 3, 2048>}, {transform_indices = @transform_2, window_bounds = array<i64: 1, 1, 2048>}, {transform_indices = @transform_3, window_bounds = array<i64: 1, 1, 2048>}]} {
    %get3A = arith.constant 0 : index
    %get3A_0 = arith.constant 0 : index
    %get3A_1 = arith.constant 0 : index
    %get3A_2 = vector.load %arg1[%get3A, %get3A_0, %get3A_1] : memref<1x2048x3xf32, #tpu.memory_space<vmem>>, vector<1x2048x3xf32>
    %get3A_3 = vector.shape_cast %get3A_2 : vector<1x2048x3xf32> to vector<2048x3xf32>
    %get3A_4 = arith.constant 0 : index
    %get3A_5 = arith.constant 0 : index
    %get3A_6 = arith.constant 0 : index
    %get3A_7 = vector.load %arg2[%get3A_4, %get3A_5, %get3A_6] : memref<1x3x2048xf32, #tpu.memory_space<vmem>>, vector<1x3x2048xf32>
    %get3A_8 = vector.shape_cast %get3A_7 : vector<1x3x2048xf32> to vector<3x2048xf32>
    %mul3A = arith.mulf %get3A_3, %get3A_3 : vector<2048x3xf32>
    %reduce_sum3A = arith.constant dense<0.000000e+00> : vector<2048xf32>
    %reduce_sum3A_9 = vector.multi_reduction <add>, %mul3A, %reduce_sum3A [1] : vector<2048x3xf32> to vector<2048xf32>
    %broadcast_in_dim3A = vector.shape_cast %reduce_sum3A_9 : vector<2048xf32> to vector<2048x1xf32>
    %mul3A_10 = arith.constant -2.000000e+00 : f32
    %mul3A_11 = vector.broadcast %mul3A_10 : f32 to vector<2048x3xf32>
    %mul3A_12 = arith.mulf %get3A_3, %mul3A_11 : vector<2048x3xf32>
    %iota3A = tpu.iota {dimensions = array<i32: 1>} : vector<2048x512xi32>
    %convert_element_type3A = arith.sitofp %iota3A : vector<2048x512xi32> to vector<2048x512xf32>
    %iota3A_13 = tpu.iota {dimensions = array<i32: 0>} : vector<2048x512xi32>
    %convert_element_type3A_14 = arith.sitofp %iota3A_13 : vector<2048x512xi32> to vector<2048x512xf32>
    %slice3A = vector.extract_strided_slice %get3A_8 {offsets = [0, 0], sizes = [3, 512], strides = [1, 1]} : vector<3x2048xf32> to vector<3x512xf32>
    %mul3A_15 = arith.mulf %slice3A, %slice3A : vector<3x512xf32>
    %reduce_sum3A_16 = arith.constant dense<0.000000e+00> : vector<512xf32>
    %reduce_sum3A_17 = vector.multi_reduction <add>, %mul3A_15, %reduce_sum3A_16 [0] : vector<3x512xf32> to vector<512xf32>
    %broadcast_in_dim3A_18 = vector.shape_cast %reduce_sum3A_17 : vector<512xf32> to vector<1x512xf32>
    %dot_general3A = arith.constant dense<0.000000e+00> : vector<2048x512xf32>
    %dot_general3A_19 = tpu.matmul %mul3A_12, %slice3A, %dot_general3A {dimension_numbers = #tpu.dot_dimension_numbers<[1], [0], [0], [1], [0, 0, 1, 1], [], []>, transpose_lhs_hint = false} : vector<2048x3xf32>, vector<3x512xf32>, vector<2048x512xf32> -> vector<2048x512xf32>
    %add3A = vector.broadcast %broadcast_in_dim3A : vector<2048x1xf32> to vector<2048x512xf32>
    %add3A_20 = vector.broadcast %broadcast_in_dim3A_18 : vector<1x512xf32> to vector<2048x512xf32>
    %add3A_21 = arith.addf %add3A, %add3A_20 : vector<2048x512xf32>
    %add3A_22 = arith.addf %add3A_21, %dot_general3A_19 : vector<2048x512xf32>
    %reduce_min3A = arith.constant dense<0x7F800000> : vector<512xf32>
    %reduce_min3A_23 = vector.multi_reduction <minimumf>, %add3A_22, %reduce_min3A [0] : vector<2048x512xf32> to vector<512xf32>
    %broadcast_in_dim3A_24 = vector.shape_cast %reduce_min3A_23 : vector<512xf32> to vector<1x512xf32>
    %le3A = vector.broadcast %broadcast_in_dim3A_24 : vector<1x512xf32> to vector<2048x512xf32>
    %le3A_25 = arith.cmpf ole, %add3A_22, %le3A : vector<2048x512xf32>
    %jit3A = arith.constant 6.553600e+04 : f32
    %broadcast_in_dim3A_26 = vector.broadcast %jit3A : f32 to vector<2048x512xf32>
    %select_n3A = arith.select %le3A_25, %convert_element_type3A_14, %broadcast_in_dim3A_26 : vector<2048x512xi1>, vector<2048x512xf32>
    %reduce_min3A_27 = arith.constant dense<0x7F800000> : vector<512xf32>
    %reduce_min3A_28 = vector.multi_reduction <minimumf>, %select_n3A, %reduce_min3A_27 [0] : vector<2048x512xf32> to vector<512xf32>
    %broadcast_in_dim3A_29 = vector.shape_cast %reduce_min3A_28 : vector<512xf32> to vector<1x512xf32>
    %convert_element_type3A_30 = arith.fptosi %broadcast_in_dim3A_29 : vector<1x512xf32> to vector<1x512xi32>
    %swap3A = arith.constant 0 : index
    %swap3A_31 = arith.constant 0 : index
    %swap3A_32 = arith.constant 0 : index
    %swap3A_33 = vector.load %arg3[%swap3A, %swap3A_31, %swap3A_32] : memref<1x1x2048xi32, #tpu.memory_space<vmem>>, vector<1x1x512xi32>
    %swap3A_34 = vector.shape_cast %swap3A_33 : vector<1x1x512xi32> to vector<1x512xi32>
    %swap3A_35 = vector.shape_cast %convert_element_type3A_30 : vector<1x512xi32> to vector<1x1x512xi32>
    tpu.vector_store %arg3[%swap3A, %swap3A_31, %swap3A_32], %swap3A_35 {strides = array<i32>} : memref<1x1x2048xi32, #tpu.memory_space<vmem>>, vector<1x1x512xi32>,
    %reduce_min3A_36 = arith.constant dense<0x7F800000> : vector<2048xf32>
    %reduce_min3A_37 = vector.multi_reduction <minimumf>, %add3A_22, %reduce_min3A_36 [1] : vector<2048x512xf32> to vector<2048xf32>
    %broadcast_in_dim3A_38 = vector.shape_cast %reduce_min3A_37 : vector<2048xf32> to vector<2048x1xf32>
    %le3A_39 = vector.broadcast %broadcast_in_dim3A_38 : vector<2048x1xf32> to vector<2048x512xf32>
    %le3A_40 = arith.cmpf ole, %add3A_22, %le3A_39 : vector<2048x512xf32>
    %jit3A_41 = arith.constant 6.553600e+04 : f32
    %broadcast_in_dim3A_42 = vector.broadcast %jit3A_41 : f32 to vector<2048x512xf32>
    %select_n3A_43 = arith.select %le3A_40, %convert_element_type3A, %broadcast_in_dim3A_42 : vector<2048x512xi1>, vector<2048x512xf32>
    %reduce_min3A_44 = arith.constant dense<0x7F800000> : vector<2048xf32>
    %reduce_min3A_45 = vector.multi_reduction <minimumf>, %select_n3A_43, %reduce_min3A_44 [1] : vector<2048x512xf32> to vector<2048xf32>
    %broadcast_in_dim3A_46 = vector.shape_cast %reduce_min3A_45 : vector<2048xf32> to vector<2048x1xf32>
    %add3A_47 = arith.constant 0.000000e+00 : f32
    %add3A_48 = vector.broadcast %add3A_47 : f32 to vector<2048x1xf32>
    %add3A_49 = arith.addf %broadcast_in_dim3A_46, %add3A_48 : vector<2048x1xf32>
    %slice3A_50 = vector.extract_strided_slice %get3A_8 {offsets = [0, 512], sizes = [3, 512], strides = [1, 1]} : vector<3x2048xf32> to vector<3x512xf32>
    %mul3A_51 = arith.mulf %slice3A_50, %slice3A_50 : vector<3x512xf32>
    %reduce_sum3A_52 = arith.constant dense<0.000000e+00> : vector<512xf32>
    %reduce_sum3A_53 = vector.multi_reduction <add>, %mul3A_51, %reduce_sum3A_52 [0] : vector<3x512xf32> to vector<512xf32>
    %broadcast_in_dim3A_54 = vector.shape_cast %reduce_sum3A_53 : vector<512xf32> to vector<1x512xf32>
    %dot_general3A_55 = arith.constant dense<0.000000e+00> : vector<2048x512xf32>
    %dot_general3A_56 = tpu.matmul %mul3A_12, %slice3A_50, %dot_general3A_55 {dimension_numbers = #tpu.dot_dimension_numbers<[1], [0], [0], [1], [0, 0, 1, 1], [], []>, transpose_lhs_hint = false} : vector<2048x3xf32>, vector<3x512xf32>, vector<2048x512xf32> -> vector<2048x512xf32>
    %add3A_57 = vector.broadcast %broadcast_in_dim3A : vector<2048x1xf32> to vector<2048x512xf32>
    %add3A_58 = vector.broadcast %broadcast_in_dim3A_54 : vector<1x512xf32> to vector<2048x512xf32>
    %add3A_59 = arith.addf %add3A_57, %add3A_58 : vector<2048x512xf32>
    %add3A_60 = arith.addf %add3A_59, %dot_general3A_56 : vector<2048x512xf32>
    %reduce_min3A_61 = arith.constant dense<0x7F800000> : vector<512xf32>
    %reduce_min3A_62 = vector.multi_reduction <minimumf>, %add3A_60, %reduce_min3A_61 [0] : vector<2048x512xf32> to vector<512xf32>
    %broadcast_in_dim3A_63 = vector.shape_cast %reduce_min3A_62 : vector<512xf32> to vector<1x512xf32>
    %le3A_64 = vector.broadcast %broadcast_in_dim3A_63 : vector<1x512xf32> to vector<2048x512xf32>
    %le3A_65 = arith.cmpf ole, %add3A_60, %le3A_64 : vector<2048x512xf32>
    %jit3A_66 = arith.constant 6.553600e+04 : f32
    %broadcast_in_dim3A_67 = vector.broadcast %jit3A_66 : f32 to vector<2048x512xf32>
    %select_n3A_68 = arith.select %le3A_65, %convert_element_type3A_14, %broadcast_in_dim3A_67 : vector<2048x512xi1>, vector<2048x512xf32>
    %reduce_min3A_69 = arith.constant dense<0x7F800000> : vector<512xf32>
    %reduce_min3A_70 = vector.multi_reduction <minimumf>, %select_n3A_68, %reduce_min3A_69 [0] : vector<2048x512xf32> to vector<512xf32>
    %broadcast_in_dim3A_71 = vector.shape_cast %reduce_min3A_70 : vector<512xf32> to vector<1x512xf32>
    %convert_element_type3A_72 = arith.fptosi %broadcast_in_dim3A_71 : vector<1x512xf32> to vector<1x512xi32>
    %swap3A_73 = arith.constant 0 : index
    %swap3A_74 = arith.constant 0 : index
    %swap3A_75 = arith.constant 512 : index
    %swap3A_76 = vector.load %arg3[%swap3A_73, %swap3A_74, %swap3A_75] : memref<1x1x2048xi32, #tpu.memory_space<vmem>>, vector<1x1x512xi32>
    %swap3A_77 = vector.shape_cast %swap3A_76 : vector<1x1x512xi32> to vector<1x512xi32>
    %swap3A_78 = vector.shape_cast %convert_element_type3A_72 : vector<1x512xi32> to vector<1x1x512xi32>
    tpu.vector_store %arg3[%swap3A_73, %swap3A_74, %swap3A_75], %swap3A_78 {strides = array<i32>} : memref<1x1x2048xi32, #tpu.memory_space<vmem>>, vector<1x1x512xi32>,
    %reduce_min3A_79 = arith.constant dense<0x7F800000> : vector<2048xf32>
    %reduce_min3A_80 = vector.multi_reduction <minimumf>, %add3A_60, %reduce_min3A_79 [1] : vector<2048x512xf32> to vector<2048xf32>
    %broadcast_in_dim3A_81 = vector.shape_cast %reduce_min3A_80 : vector<2048xf32> to vector<2048x1xf32>
    %le3A_82 = vector.broadcast %broadcast_in_dim3A_81 : vector<2048x1xf32> to vector<2048x512xf32>
    %le3A_83 = arith.cmpf ole, %add3A_60, %le3A_82 : vector<2048x512xf32>
    %jit3A_84 = arith.constant 6.553600e+04 : f32
    %broadcast_in_dim3A_85 = vector.broadcast %jit3A_84 : f32 to vector<2048x512xf32>
    %select_n3A_86 = arith.select %le3A_83, %convert_element_type3A, %broadcast_in_dim3A_85 : vector<2048x512xi1>, vector<2048x512xf32>
    %reduce_min3A_87 = arith.constant dense<0x7F800000> : vector<2048xf32>
    %reduce_min3A_88 = vector.multi_reduction <minimumf>, %select_n3A_86, %reduce_min3A_87 [1] : vector<2048x512xf32> to vector<2048xf32>
    %broadcast_in_dim3A_89 = vector.shape_cast %reduce_min3A_88 : vector<2048xf32> to vector<2048x1xf32>
    %add3A_90 = arith.constant 5.120000e+02 : f32
    %add3A_91 = vector.broadcast %add3A_90 : f32 to vector<2048x1xf32>
    %add3A_92 = arith.addf %broadcast_in_dim3A_89, %add3A_91 : vector<2048x1xf32>
    %slice3A_93 = vector.extract_strided_slice %get3A_8 {offsets = [0, 1024], sizes = [3, 512], strides = [1, 1]} : vector<3x2048xf32> to vector<3x512xf32>
    %mul3A_94 = arith.mulf %slice3A_93, %slice3A_93 : vector<3x512xf32>
    %reduce_sum3A_95 = arith.constant dense<0.000000e+00> : vector<512xf32>
    %reduce_sum3A_96 = vector.multi_reduction <add>, %mul3A_94, %reduce_sum3A_95 [0] : vector<3x512xf32> to vector<512xf32>
    %broadcast_in_dim3A_97 = vector.shape_cast %reduce_sum3A_96 : vector<512xf32> to vector<1x512xf32>
    %dot_general3A_98 = arith.constant dense<0.000000e+00> : vector<2048x512xf32>
    %dot_general3A_99 = tpu.matmul %mul3A_12, %slice3A_93, %dot_general3A_98 {dimension_numbers = #tpu.dot_dimension_numbers<[1], [0], [0], [1], [0, 0, 1, 1], [], []>, transpose_lhs_hint = false} : vector<2048x3xf32>, vector<3x512xf32>, vector<2048x512xf32> -> vector<2048x512xf32>
    %add3A_100 = vector.broadcast %broadcast_in_dim3A : vector<2048x1xf32> to vector<2048x512xf32>
    %add3A_101 = vector.broadcast %broadcast_in_dim3A_97 : vector<1x512xf32> to vector<2048x512xf32>
    %add3A_102 = arith.addf %add3A_100, %add3A_101 : vector<2048x512xf32>
    %add3A_103 = arith.addf %add3A_102, %dot_general3A_99 : vector<2048x512xf32>
    %reduce_min3A_104 = arith.constant dense<0x7F800000> : vector<512xf32>
    %reduce_min3A_105 = vector.multi_reduction <minimumf>, %add3A_103, %reduce_min3A_104 [0] : vector<2048x512xf32> to vector<512xf32>
    %broadcast_in_dim3A_106 = vector.shape_cast %reduce_min3A_105 : vector<512xf32> to vector<1x512xf32>
    %le3A_107 = vector.broadcast %broadcast_in_dim3A_106 : vector<1x512xf32> to vector<2048x512xf32>
    %le3A_108 = arith.cmpf ole, %add3A_103, %le3A_107 : vector<2048x512xf32>
    %jit3A_109 = arith.constant 6.553600e+04 : f32
    %broadcast_in_dim3A_110 = vector.broadcast %jit3A_109 : f32 to vector<2048x512xf32>
    %select_n3A_111 = arith.select %le3A_108, %convert_element_type3A_14, %broadcast_in_dim3A_110 : vector<2048x512xi1>, vector<2048x512xf32>
    %reduce_min3A_112 = arith.constant dense<0x7F800000> : vector<512xf32>
    %reduce_min3A_113 = vector.multi_reduction <minimumf>, %select_n3A_111, %reduce_min3A_112 [0] : vector<2048x512xf32> to vector<512xf32>
    %broadcast_in_dim3A_114 = vector.shape_cast %reduce_min3A_113 : vector<512xf32> to vector<1x512xf32>
    %convert_element_type3A_115 = arith.fptosi %broadcast_in_dim3A_114 : vector<1x512xf32> to vector<1x512xi32>
    %swap3A_116 = arith.constant 0 : index
    %swap3A_117 = arith.constant 0 : index
    %swap3A_118 = arith.constant 1024 : index
    %swap3A_119 = vector.load %arg3[%swap3A_116, %swap3A_117, %swap3A_118] : memref<1x1x2048xi32, #tpu.memory_space<vmem>>, vector<1x1x512xi32>
    %swap3A_120 = vector.shape_cast %swap3A_119 : vector<1x1x512xi32> to vector<1x512xi32>
    %swap3A_121 = vector.shape_cast %convert_element_type3A_115 : vector<1x512xi32> to vector<1x1x512xi32>
    tpu.vector_store %arg3[%swap3A_116, %swap3A_117, %swap3A_118], %swap3A_121 {strides = array<i32>} : memref<1x1x2048xi32, #tpu.memory_space<vmem>>, vector<1x1x512xi32>,
    %reduce_min3A_122 = arith.constant dense<0x7F800000> : vector<2048xf32>
    %reduce_min3A_123 = vector.multi_reduction <minimumf>, %add3A_103, %reduce_min3A_122 [1] : vector<2048x512xf32> to vector<2048xf32>
    %broadcast_in_dim3A_124 = vector.shape_cast %reduce_min3A_123 : vector<2048xf32> to vector<2048x1xf32>
    %le3A_125 = vector.broadcast %broadcast_in_dim3A_124 : vector<2048x1xf32> to vector<2048x512xf32>
    %le3A_126 = arith.cmpf ole, %add3A_103, %le3A_125 : vector<2048x512xf32>
    %jit3A_127 = arith.constant 6.553600e+04 : f32
    %broadcast_in_dim3A_128 = vector.broadcast %jit3A_127 : f32 to vector<2048x512xf32>
    %select_n3A_129 = arith.select %le3A_126, %convert_element_type3A, %broadcast_in_dim3A_128 : vector<2048x512xi1>, vector<2048x512xf32>
    %reduce_min3A_130 = arith.constant dense<0x7F800000> : vector<2048xf32>
    %reduce_min3A_131 = vector.multi_reduction <minimumf>, %select_n3A_129, %reduce_min3A_130 [1] : vector<2048x512xf32> to vector<2048xf32>
    %broadcast_in_dim3A_132 = vector.shape_cast %reduce_min3A_131 : vector<2048xf32> to vector<2048x1xf32>
    %add3A_133 = arith.constant 1.024000e+03 : f32
    %add3A_134 = vector.broadcast %add3A_133 : f32 to vector<2048x1xf32>
    %add3A_135 = arith.addf %broadcast_in_dim3A_132, %add3A_134 : vector<2048x1xf32>
    %slice3A_136 = vector.extract_strided_slice %get3A_8 {offsets = [0, 1536], sizes = [3, 512], strides = [1, 1]} : vector<3x2048xf32> to vector<3x512xf32>
    %mul3A_137 = arith.mulf %slice3A_136, %slice3A_136 : vector<3x512xf32>
    %reduce_sum3A_138 = arith.constant dense<0.000000e+00> : vector<512xf32>
    %reduce_sum3A_139 = vector.multi_reduction <add>, %mul3A_137, %reduce_sum3A_138 [0] : vector<3x512xf32> to vector<512xf32>
    %broadcast_in_dim3A_140 = vector.shape_cast %reduce_sum3A_139 : vector<512xf32> to vector<1x512xf32>
    %dot_general3A_141 = arith.constant dense<0.000000e+00> : vector<2048x512xf32>
    %dot_general3A_142 = tpu.matmul %mul3A_12, %slice3A_136, %dot_general3A_141 {dimension_numbers = #tpu.dot_dimension_numbers<[1], [0], [0], [1], [0, 0, 1, 1], [], []>, transpose_lhs_hint = false} : vector<2048x3xf32>, vector<3x512xf32>, vector<2048x512xf32> -> vector<2048x512xf32>
    %add3A_143 = vector.broadcast %broadcast_in_dim3A : vector<2048x1xf32> to vector<2048x512xf32>
    %add3A_144 = vector.broadcast %broadcast_in_dim3A_140 : vector<1x512xf32> to vector<2048x512xf32>
    %add3A_145 = arith.addf %add3A_143, %add3A_144 : vector<2048x512xf32>
    %add3A_146 = arith.addf %add3A_145, %dot_general3A_142 : vector<2048x512xf32>
    %reduce_min3A_147 = arith.constant dense<0x7F800000> : vector<512xf32>
    %reduce_min3A_148 = vector.multi_reduction <minimumf>, %add3A_146, %reduce_min3A_147 [0] : vector<2048x512xf32> to vector<512xf32>
    %broadcast_in_dim3A_149 = vector.shape_cast %reduce_min3A_148 : vector<512xf32> to vector<1x512xf32>
    %le3A_150 = vector.broadcast %broadcast_in_dim3A_149 : vector<1x512xf32> to vector<2048x512xf32>
    %le3A_151 = arith.cmpf ole, %add3A_146, %le3A_150 : vector<2048x512xf32>
    %jit3A_152 = arith.constant 6.553600e+04 : f32
    %broadcast_in_dim3A_153 = vector.broadcast %jit3A_152 : f32 to vector<2048x512xf32>
    %select_n3A_154 = arith.select %le3A_151, %convert_element_type3A_14, %broadcast_in_dim3A_153 : vector<2048x512xi1>, vector<2048x512xf32>
    %reduce_min3A_155 = arith.constant dense<0x7F800000> : vector<512xf32>
    %reduce_min3A_156 = vector.multi_reduction <minimumf>, %select_n3A_154, %reduce_min3A_155 [0] : vector<2048x512xf32> to vector<512xf32>
    %broadcast_in_dim3A_157 = vector.shape_cast %reduce_min3A_156 : vector<512xf32> to vector<1x512xf32>
    %convert_element_type3A_158 = arith.fptosi %broadcast_in_dim3A_157 : vector<1x512xf32> to vector<1x512xi32>
    %swap3A_159 = arith.constant 0 : index
    %swap3A_160 = arith.constant 0 : index
    %swap3A_161 = arith.constant 1536 : index
    %swap3A_162 = vector.load %arg3[%swap3A_159, %swap3A_160, %swap3A_161] : memref<1x1x2048xi32, #tpu.memory_space<vmem>>, vector<1x1x512xi32>
    %swap3A_163 = vector.shape_cast %swap3A_162 : vector<1x1x512xi32> to vector<1x512xi32>
    %swap3A_164 = vector.shape_cast %convert_element_type3A_158 : vector<1x512xi32> to vector<1x1x512xi32>
    tpu.vector_store %arg3[%swap3A_159, %swap3A_160, %swap3A_161], %swap3A_164 {strides = array<i32>} : memref<1x1x2048xi32, #tpu.memory_space<vmem>>, vector<1x1x512xi32>,
    %reduce_min3A_165 = arith.constant dense<0x7F800000> : vector<2048xf32>
    %reduce_min3A_166 = vector.multi_reduction <minimumf>, %add3A_146, %reduce_min3A_165 [1] : vector<2048x512xf32> to vector<2048xf32>
    %broadcast_in_dim3A_167 = vector.shape_cast %reduce_min3A_166 : vector<2048xf32> to vector<2048x1xf32>
    %le3A_168 = vector.broadcast %broadcast_in_dim3A_167 : vector<2048x1xf32> to vector<2048x512xf32>
    %le3A_169 = arith.cmpf ole, %add3A_146, %le3A_168 : vector<2048x512xf32>
    %jit3A_170 = arith.constant 6.553600e+04 : f32
    %broadcast_in_dim3A_171 = vector.broadcast %jit3A_170 : f32 to vector<2048x512xf32>
    %select_n3A_172 = arith.select %le3A_169, %convert_element_type3A, %broadcast_in_dim3A_171 : vector<2048x512xi1>, vector<2048x512xf32>
    %reduce_min3A_173 = arith.constant dense<0x7F800000> : vector<2048xf32>
    %reduce_min3A_174 = vector.multi_reduction <minimumf>, %select_n3A_172, %reduce_min3A_173 [1] : vector<2048x512xf32> to vector<2048xf32>
    %broadcast_in_dim3A_175 = vector.shape_cast %reduce_min3A_174 : vector<2048xf32> to vector<2048x1xf32>
    %add3A_176 = arith.constant 1.536000e+03 : f32
    %add3A_177 = vector.broadcast %add3A_176 : f32 to vector<2048x1xf32>
    %add3A_178 = arith.addf %broadcast_in_dim3A_175, %add3A_177 : vector<2048x1xf32>
    %lt3A = arith.cmpf olt, %broadcast_in_dim3A_81, %broadcast_in_dim3A_38 : vector<2048x1xf32>
    %select_n3A_179 = arith.select %lt3A, %broadcast_in_dim3A_81, %broadcast_in_dim3A_38 : vector<2048x1xi1>, vector<2048x1xf32>
    %select_n3A_180 = arith.select %lt3A, %add3A_92, %add3A_49 : vector<2048x1xi1>, vector<2048x1xf32>
    %lt3A_181 = arith.cmpf olt, %broadcast_in_dim3A_124, %select_n3A_179 : vector<2048x1xf32>
    %select_n3A_182 = arith.select %lt3A_181, %broadcast_in_dim3A_124, %select_n3A_179 : vector<2048x1xi1>, vector<2048x1xf32>
    %select_n3A_183 = arith.select %lt3A_181, %add3A_135, %select_n3A_180 : vector<2048x1xi1>, vector<2048x1xf32>
    %lt3A_184 = arith.cmpf olt, %broadcast_in_dim3A_167, %select_n3A_182 : vector<2048x1xf32>
    %select_n3A_185 = arith.select %lt3A_184, %add3A_178, %select_n3A_183 : vector<2048x1xi1>, vector<2048x1xf32>
    %convert_element_type3A_186 = arith.fptosi %select_n3A_185 : vector<2048x1xf32> to vector<2048x1xi32>
    %reshape3A = vector.shape_cast %convert_element_type3A_186 : vector<2048x1xi32> to vector<1x2048xi32>
    %swap3A_187 = arith.constant 0 : index
    %swap3A_188 = arith.constant 0 : index
    %swap3A_189 = arith.constant 0 : index
    %swap3A_190 = vector.load %arg4[%swap3A_187, %swap3A_188, %swap3A_189] : memref<1x1x2048xi32, #tpu.memory_space<vmem>>, vector<1x1x2048xi32>
    %swap3A_191 = vector.shape_cast %swap3A_190 : vector<1x1x2048xi32> to vector<1x2048xi32>
    %swap3A_192 = vector.shape_cast %reshape3A : vector<1x2048xi32> to vector<1x1x2048xi32>
    tpu.vector_store %arg4[%swap3A_187, %swap3A_188, %swap3A_189], %swap3A_192 {strides = array<i32>} : memref<1x1x2048xi32, #tpu.memory_space<vmem>>, vector<1x1x2048xi32>,
    return
  }
  func.func @transform_0(%arg0: i32) -> (i32, i32, i32) {
    %c0_i32 = arith.constant 0 : i32
    %c0_i32_0 = arith.constant 0 : i32
    %c0_i32_1 = arith.constant 0 : i32
    return %arg0, %c0_i32, %c0_i32_0 : i32, i32, i32
  }
  func.func @transform_1(%arg0: i32) -> (i32, i32, i32) {
    %c0_i32 = arith.constant 0 : i32
    %c0_i32_0 = arith.constant 0 : i32
    %c0_i32_1 = arith.constant 0 : i32
    return %arg0, %c0_i32, %c0_i32_0 : i32, i32, i32
  }
  func.func @transform_2(%arg0: i32) -> (i32, i32, i32) {
    %c0_i32 = arith.constant 0 : i32
    %c0_i32_0 = arith.constant 0 : i32
    %c0_i32_1 = arith.constant 0 : i32
    return %arg0, %c0_i32, %c0_i32_0 : i32, i32, i32
  }
  func.func @transform_3(%arg0: i32) -> (i32, i32, i32) {
    %c0_i32 = arith.constant 0 : i32
    %c0_i32_0 = arith.constant 0 : i32
    %c0_i32_1 = arith.constant 0 : i32
    return %arg0, %c0_i32, %c0_i32_0 : i32, i32, i32
  }
}

</mosaic_0001>

<sc_bundles>
// kernel: kernel.4.cloned.1.call-start
scs
__scs_entry_jumppad:
0x0: {  	(pc) =	sbr.rel $0x88, $3  }
0x1: {  	(tag) =	ssettag $0x0;
	lr =	simm.s32 $0x1  }
0x2: {  	[smem:$0x3F9D] =	sst lr;
	_ =	strace $0xD0000000  }
0x3: {  	_ = 	snop  }
0x4: {  	_ = 	snop  }
0x5: {  	_ = 	snop  }
0x6: {  	_ = 	snop  }
0x7: {  	_ = 	snop  }
__scs_overlays_trampoline_lowered:
0x8: {  	[smem:$0x3FAC] =	sst s0  }
0x9: {  	[smem:$0x3FAD] =	sst s1  }
0xa: {  	[smem:$0x3FAE] =	sst s2  }
0xb: {  	[smem:$0x3FAF] =	sst s3  }
0xc: {  	[smem:$0x3FB0] =	sst s4  }
0xd: {  	[smem:$0x3FB1] =	sst s5  }
0xe: {  	[smem:$0x3FB2] =	sst s6  }
0xf: {  	[smem:$0x3FB3] =	sst s7  }
0x10: {  	[smem:$0x3FB4] =	sst s8  }
0x11: {  	[smem:$0x3FB5] =	sst s9;
	s0 =	simm.s32 @!p0 $0x0  }
0x12: {  	s1 =	sld [smem:$0x3F9B];
	s0 =	simm.s32 @p0 $0x1  }
0x13: {  	[smem:$0x3FB6] =	sst s0;
	s0 =	simm.s32 @!p1 $0x0  }
0x14: {  	s2 =	sld [smem:$0x3F9A];
	s0 =	simm.s32 @p1 $0x1  }
0x15: {  	[smem:$0x3FB7] =	sst s0;
	s0 =	simm.s32 @!p2 $0x0  }
0x16: {  	s3 =	sld [smem:$0x3FDB];
	s0 =	simm.s32 @p2 $0x1  }
0x17: {  	s4 =	simm.s32 $0x1BF5;
	[smem:$0x3FB9] =	sst s0  }
0x18: {  	s0 =	sld [smem:$0x3F9C];
	_ =	swait.ge [sflag:s4], $0x0  }
0x19: {  	s7 =	sld [smem:$0x3F9D]  }
0x1a: {  	s8 =	sadd.s32 $0xFFFFE003, lr  }
0x1b: {  	s9 =	sadd.s32 $0xFFFFFEF7, lr;
	s5 =	simm.s32 $0xFFFFFFFF;
	p2 =	slt.u32 s8, $0xFFFFF086  }
0x1c: {  	p1 =	slt.u32 s9, $0xF7A;
	s5 =	simm.s32 @!p2 $0x0  }
0x1d: {  	s5 =	simm.s32 @p1 $0x1;
	p0 =	seq.s32 s7, s2  }
0x1e: {  	s7 =	smul.u32 @!p0 $0xF7A, s2;
	p2 =	seq.s32 @!p0 s5, $0x0  }
0x1f: {  	s9 =	smul.u32 $0xF7A, s1;
	s8 =	simm.s32 @!p0 $0x1BF5;
	p2 =	por !p2, p0  }
0x20: {  	[sflag:s8] =	ssyncset.s32 @!p0 $0xFFFFF086;
	s6 =	sadd.s32 @!p0 s3, s7;
	s7 =	simm.s32 @!p0 $0x108  }
0x21: {  	s3 =	sadd.s32 s3, s9;
	s6 =	sadd.s32 @!p0 $0x88, s6;
	s7 =	simm.s32 @p2 $0x1082  }
0x22: {  	[simem:s7], [sflag:s8] =	dma.local @!p0 [hbm:s6], $0xF7A  }
0x23: {  	s9 =	sor.u32 $0xD0000000, s2;
	s6 =	simm.s32 $0x108;
	_ =	swait.ge @!p0 [sflag:s8], $0x0  }
0x24: {  	s3 =	sadd.s32 $0x88, s3;
	s6 =	simm.s32 @!p1 $0x1082;
	[sflag:s4] =	ssyncset.s32 $0xFFFFF086  }
0x25: {  	[simem:s6], [sflag:s4] =	dma.local [hbm:s3], $0xF7A  }
0x26: {  	[smem:$0x3F9D] =	sst s1;
	(tag) =	ssettag s2;
	_ =	strace s9  }
0x27: {  	s1 =	sld [smem:$0x3FAD]  }
0x28: {  	s2 =	sld [smem:$0x3FAE]  }
0x29: {  	s4 =	sld [smem:$0x3FB0]  }
0x2a: {  	p0 =	seq.s32 s5, $0x0;
	s5 =	sld [smem:$0x3FB1]  }
0x2b: {  	s6 =	sld [smem:$0x3FB2]  }
0x2c: {  	s7 =	sld [smem:$0x3FB3]  }
0x2d: {  	s3 =	simm.s32 $0x108;
	s8 =	sld [smem:$0x3FB4]  }
0x2e: {  	s3 =	simm.s32 @!p0 $0x1082;
	s9 =	sld [smem:$0x3FB5]  }
0x2f: {  	lr =	sadd.s32 s0, s3;
	s0 =	sld [smem:$0x3FAC]  }
0x30: {  	s3 =	sld [smem:$0x3FAF]  }
0x31: {  	[smem:$0x3FB8] =	sst s10  }
0x32: {  	s10 =	sld [smem:$0x3FB6];
	_ =	sdelay $0x3  }
0x33: {  	p0 =	seq.s32 s10, $0x1;
	s10 =	sld [smem:$0x3FB8];
	_ =	sdelay $0x3  }
0x34: {  	[smem:$0x3FB8] =	sst s10  }
0x35: {  	s10 =	sld [smem:$0x3FB7];
	_ =	sdelay $0x3  }
0x36: {  	p1 =	seq.s32 s10, $0x1;
	s10 =	sld [smem:$0x3FB8];
	_ =	sdelay $0x3  }
0x37: {  	[smem:$0x3FB8] =	sst s10  }
0x38: {  	s10 =	sld [smem:$0x3FB9]  }
0x39: {  	_ = 	snop;
	(pc) =	sbr.ind lr, $3  }
0x3a: {  	_ = 	snop  }
0x3b: {  	_ = 	snop  }
0x3c: {  	p2 =	seq.s32 s10, $0x1;
	s10 =	sld [smem:$0x3FB8]  }
0x3d: {  	_ =	shalt  }
0x3e: {  	_ =	shalt  }
0x3f: {  	_ =	shalt  }
0x40: {  	_ =	shalt  }
0x41: {  	_ =	shalt  }
0x42: {  	_ =	shalt  }
0x43: {  	_ =	shalt  }
0x44: {  	_ =	shalt  }
0x45: {  	_ =	shalt  }
0x46: {  	_ =	shalt  }
0x47: {  	_ =	shalt  }
0x48: {  	_ =	shalt  }
0x49: {  	_ =	shalt  }
0x4a: {  	_ =	shalt  }
0x4b: {  	_ =	shalt  }
0x4c: {  	_ =	shalt  }
0x4d: {  	_ =	shalt  }
0x4e: {  	_ =	shalt  }
0x4f: {  	_ =	shalt  }
0x50: {  	_ =	shalt  }
0x51: {  	_ =	shalt  }
0x52: {  	_ =	shalt  }
0x53: {  	_ =	shalt  }
0x54: {  	_ =	shalt  }
0x55: {  	_ =	shalt  }
0x56: {  	_ =	shalt  }
0x57: {  	_ =	shalt  }
0x58: {  	_ =	shalt  }
0x59: {  	_ =	shalt  }
0x5a: {  	_ =	shalt  }
0x5b: {  	_ =	shalt  }
0x5c: {  	_ =	shalt  }
0x5d: {  	_ =	shalt  }
0x5e: {  	_ =	shalt  }
0x5f: {  	_ =	shalt  }
0x60: {  	_ =	shalt  }
0x61: {  	_ =	shalt  }
0x62: {  	_ =	shalt  }
0x63: {  	_ =	shalt  }
0x64: {  	_ =	shalt  }
0x65: {  	_ =	shalt  }
0x66: {  	_ =	shalt  }
0x67: {  	_ =	shalt  }
0x68: {  	_ =	shalt  }
0x69: {  	_ =	shalt  }
0x6a: {  	_ =	shalt  }
0x6b: {  	_ =	shalt  }
0x6c: {  	_ =	shalt  }
0x6d: {  	_ =	shalt  }
0x6e: {  	_ =	shalt  }
0x6f: {  	_ =	shalt  }
0x70: {  	_ =	shalt  }
0x71: {  	_ =	shalt  }
0x72: {  	_ =	shalt  }
0x73: {  	_ =	shalt  }
0x74: {  	_ =	shalt  }
0x75: {  	_ =	shalt  }
0x76: {  	_ =	shalt  }
0x77: {  	_ =	shalt  }
0x78: {  	_ =	shalt  }
0x79: {  	_ =	shalt  }
0x7a: {  	_ =	shalt  }
0x7b: {  	_ =	shalt  }
0x7c: {  	_ =	shalt  }
0x7d: {  	_ =	shalt  }
0x7e: {  	_ =	shalt  }
0x7f: {  	_ =	shalt  }
0x80: {  	_ =	shalt  }
0x81: {  	_ =	shalt  }
0x82: {  	_ =	shalt  }
0x83: {  	_ =	shalt  }
0x84: {  	_ =	shalt  }
0x85: {  	_ =	shalt  }
0x86: {  	_ =	shalt  }
0x87: {  	_ =	shalt  }
.Lfunc_end0:
.L_simem_size_0:
called_computation_lowered:
.L_overlay_start_0:
0x88: {  	s2 =	sld [smem:$0x3FD9]  }
0x89: {  	s3 =	sld [smem:$0x3FFE];
	_ =	sdelay $0x1  }
0x8a: {  	s1 =	srdreg.scid  }
0x8b: {  	s0 =	sand.u32 $0x1, s1  }
0x8c: {  	s14 =	sshll.u32 s0, $0xA;
	s2 =	sadd.s32 s3, s2  }
0x8d: {  	s2 =	sadd.s32 s2, s14  }
0x8e: {  	[smem:$0x3FC4] =	sst s2  }
0x8f: {  	_ = 	snop  }
0x90: {  	s2 =	sld [smem:$0x3FD0];
	_ =	sdelay $0x2  }
0x91: {  	s15 =	simm.s32 $0xA;
	s4 =	simm.s32 $0x10  }
0x92: {  	[smem:s4], [sflag:s15] =	dma.local [hbm:s2], $0x1  }
0x93: {  	_ =	swait.eq [sflag:s15], $0x1  }
0x94: {  	[sflag:s15] =	ssyncset.done $0x0  }
0x95: {  	s16 =	sld [smem:$0x10];
	[sflag:s15] =	ssyncadd.s32 $0xFFFFFFFF  }
0x96: {  	s17 =	sld [smem:$0x11];
	(tm) =	ssettm $0x1  }
0x97: {  	s18 =	sld [smem:$0x3FFB];
	_ =	sdelay $0x3  }
0x98: {  	_ =	strace s18  }
0x99: {  	s4 =	sld [smem:$0x3FFC];
	_ =	sdelay $0x3  }
0x9a: {  	_ =	strace s4  }
0x9b: {  	s4 =	sld [smem:$0x3FFD];
	_ =	sdelay $0x3  }
0x9c: {  	_ =	strace s4  }
0x9d: {  	_ =	strace $0x8FFFFFFF  }
0x9e: {  	s19 =	sld [smem:$0x3FDB];
	_ =	sdelay $0x1  }
0x9f: {  	s5 =	simm.s32 $_scs_section_size  }
0xa0: {  	s6 =	simm.s32 $_size__tile_overlayer_lowered;
	s7 =	simm.s32 $_tile_overlayer_lowered  }
0xa1: {  	s22 =	simm.s32 $0x1BFF;
	s21 =	sshll.u32 s7, $0x1;
	s4 =	sadd.s32 s5, s19  }
0xa2: {  	s8 =	simm.s32 $0x0;
	s20 =	sshll.u32 s6, $0x1;
	s6 =	sadd.s32 s21, s4  }
0xa3: {  	[timem:s8], [sflag:s22] =	dma.local [hbm:s6], s20  }
0xa4: {  	_ =	swait.ge [sflag:s22], s20  }
0xa5: {  	s5 =	ssub.s32 $0x0, s20;
	[sflag:s22] =	ssyncset.done $0x0  }
0xa6: {  	[sflag:s22] =	ssyncadd.s32 s5;
	_ =	sdelay $0x1  }
0xa7: {  	s23 =	simm.s32 $0x1B8B  }
0xa8: {  	_ =	swait.ge [sflag:s23], $0x1  }
0xa9: {  	[sflag:s23] =	ssyncset.done $0x0  }
0xaa: {  	s25 =	simm.s32 $0x1B8E;
	s24 =	sld [smem:$0x3FFE];
	[sflag:s23] =	ssyncadd.s32 $0xFFFFFFFF  }
0xab: {  	s26 =	simm.s32 $execute0_lowered;
	[smem:$0x3FD2] =	sst s25  }
0xac: {  	s6 =	sshll.u32 s26, $0x1;
	_ =	strace $0x80000046;
	[dreg:$0x1] =	wrdreg $0xFFFFFFFF  }
0xad: {  	s28 =	simm.s32 $_size_execute0_lowered;
	s4 =	sadd.s32 s4, s6;
	[dreg:$0x0] =	wrdreg $0x0  }
0xae: {  	s6 =	sshll.u32 s28, $0x1;
	[dreg:$0x2] =	wrdreg s4  }
0xaf: {  	[dreg:$0x3] =	wrdreg s6  }
0xb0: {  	[dreg:$0x4] =	wrdreg $0xC0  }
0xb1: {  	_ =	task [dreg:s8], $0x5FFFF  }
0xb2: {  	[dreg:$0x1] =	wrdreg $0xFFFFFFFF  }
0xb3: {  	[dreg:$0x0] =	wrdreg $0x60  }
0xb4: {  	[dreg:$0x2] =	wrdreg s17  }
0xb5: {  	[dreg:$0x3] =	wrdreg s16  }
0xb6: {  	[dreg:$0x4] =	wrdreg s24  }
0xb7: {  	[dreg:$0x5] =	wrdreg $0x9  }
0xb8: {  	_ =	task.clear_ibuf [dreg:s8], $0x6FFFF;
	_ =	strace $0x90000046  }
0xb9: {  	s29 =	simm.s32 $0x9;
	_ =	strace $0x80000048  }
0xba: {  	_ =	swait.ge [sflag:s29], $0x1  }
0xbb: {  	[sflag:s29] =	ssyncadd.s32 $0xFFFFFFFF  }
0xbc: {  	_ =	strace $0x90000048  }
0xbd: {  	_ =	sfence  }
0xbe: {  	s30 =	sld [smem:$0x0];
	_ =	sdelay $0x2  }
0xbf: {  	s31 =	sshll.u32 s1, $0xD;
	s1 =	sshrl.u32 s1, $0x2  }
0xc0: {  	s3 =	sand.u32 $0x4000, s31;
	s1 =	sadd.s32 s1, s30  }
0xc1: {  	s0 =	sor.u32 s3, s0;
	s1 =	sshll.u32 s1, $0x11  }
0xc2: {  	s0 =	sor.u32 s1, s0  }
0xc3: {  	s0 =	sadd.s32 $0x8F2B, s0  }
0xc4: {  	[sflag:s0] =	ssyncadd.remote.s32 $0x1  }
0xc5: {  	_ =	sfence.sel $0xFFFF  }
0xc6: {  	[dreg:$0x0] =	wrdreg $0xFFFFFFFF;
	(pc) =	sbr.abs _section_cstart, $3  }
0xc7: {  	[dreg:$0x1] =	wrdreg $0xFFFFFFFF  }
0xc8: {  	_ =	task.clear_ibuf [dreg:s8], $0x2FFFF;
	_ =	strace $0x9FFFFFFF  }
0xc9: {  	(tm) =	ssettm $0x7FFFFFFF  }
tec
execute0_lowered:
.L_overlay_start_1:
0x0: {  	(tag) =	ssettag $0x1  }
0x1: {  	s10 =	rddreg [dreg:$0x0]  }
0x2: {  	s11 =	rddreg [dreg:$0x1]  }
0x3: {  	s2 =	rddreg [dreg:$0x2]  }
0x4: {  	s0 =	rddreg [dreg:$0x3];
	s1 =	simm.s32 $0x0  }
0x5: {  	s3 =	srdreg.scid;
	s26 =	simm.s32 $0x0;
	[smem:$0x7FF] =	sst s1  }
0x6: {  	s12 =	sadd.s32 $0x4600, s2;
	s7 =	sadd.s32 $0x4E00, s2;
	s8 =	sadd.s32 $0x5600, s2  }
0x7: {  	s9 =	sadd.s32 $0x5E00, s2;
	s13 =	sadd.s32 $0x2E00, s2;
	s14 =	sadd.s32 $0x2600, s2  }
0x8: {  	s15 =	sadd.s32 $0x1E00, s2;
	s16 =	sadd.s32 $0x6600, s2;
	s17 =	sadd.s32 $0x6E00, s2  }
0x9: {  	s18 =	sadd.s32 $0x7600, s2;
	s19 =	sadd.s32 $0x3E00, s2;
	s3 =	sand.u32 $0x1, s3  }
0xa: {  	s20 =	sadd.s32 $0x3600, s2;
	s21 =	sadd.s32 $0x8600, s2;
	s22 =	sadd.s32 $0x7E00, s2  }
0xb: {  	s2 =	stileid.u32;
	s6 =	smov.u32 s11;
	_ =	strace $0x80000047  }
0xc: {  	s4 =	ssub.s32 $0x2, s3;
	s23 =	sshll.u32 s2, $0x7;
	p0 =	seq.s32 s3, $0x0  }
0xd: {  	s25 =	smov.u32 s12;
	s5 =	sshrl.u32 s4, $0x1;
	s24 =	sand.u32 $0x700, s23  }
0xe: {  	s6 =	smov.u32 @p0 s14;
	s25 =	smov.u32 @p0 s15;
	s7 =	smov.u32 @p0 s16  }
0xf: {  	s8 =	smov.u32 @p0 s17;
	s9 =	smov.u32 @p0 s18;
	s14 =	smov.u32 @p0 s11  }
0x10: {  	s15 =	smov.u32 @p0 s12;
	s20 =	smov.u32 @p0 s19;
	s22 =	smov.u32 @p0 s21  }
0x11: {  	s16 =	simm.s32 $0x800;
	s17 =	simm.s32 $0x1000;
	s18 =	simm.s32 $0x1800  }
0x12: {  	s19 =	simm.s32 $0x2000;
	s21 =	simm.s32 $0x3000;
	s4 =	ssub.s32 s4, s5  }
0x13: {  	s5 =	smov.u32 s10;
	s7 =	sadd.s32 s7, s24;
	s8 =	sadd.s32 s8, s24  }
0x14: {  	s9 =	sadd.s32 s9, s24;
	s11 =	sadd.s32 s14, s23;
	s12 =	sadd.s32 s15, s23  }
0x15: {  	s14 =	sadd.s32 s22, s23;
	s15 =	simm.s32 $0x1;
	s22 =	simm.s32 $0x3400  }
0x16: {  	s3 =	smax.u32 s4, $0x1;
	s5 =	smov.u32 @p0 s13;
	s13 =	smov.u32 @p0 s10  }
0x17: {  	s4 =	sadd.s32 s5, s24;
	s5 =	sadd.s32 s6, s24;
	s6 =	sadd.s32 s25, s24  }
0x18: {  	v0 =	vimm.f32 $1.000000000e+00;
	s10 =	sadd.s32 s13, s23;
	s13 =	sadd.s32 s20, s23;
	s20 =	simm.s32 $0x2800  }
0x19: {  	v0 =	vand.u32 $0x7FFFFFFF, v0;
	s23 =	simm.s32 $0x3800;
	s24 =	simm.s32 $0x3C00;
	s25 =	simm.s32 $0x4000  }
.LBB2_1:
0x1a: {  	[tilespmem:s1], [sflag:$0x1] =	stream.linear.gather [hbm4b:s4+s1], $0x800, $0x38;
	[tilespmem:$0x4400] =	vst v63  }
0x1b: {  	_ =	swait.ge [sflag:s15], $0x800  }
0x1c: {  	[sflag:s15] =	ssyncset.done $0x0  }
0x1d: {  	[sflag:s15] =	ssyncadd.s32 $0xFFFFF800  }
0x1e: {  	[tilespmem:s16], [sflag:$0x1] =	stream.linear.gather [hbm4b:s5+s1], $0x800, $0x38;
	[tilespmem:$0x4400] =	vst v63  }
0x1f: {  	_ =	swait.ge [sflag:s15], $0x800  }
0x20: {  	[sflag:s15] =	ssyncset.done $0x0  }
0x21: {  	[sflag:s15] =	ssyncadd.s32 $0xFFFFF800  }
0x22: {  	[tilespmem:s17], [sflag:$0x1] =	stream.linear.gather [hbm4b:s6+s1], $0x800, $0x38;
	[tilespmem:$0x4400] =	vst v63  }
0x23: {  	_ =	swait.ge [sflag:s15], $0x800  }
0x24: {  	[sflag:s15] =	ssyncset.done $0x0  }
0x25: {  	[sflag:s15] =	ssyncadd.s32 $0xFFFFF800  }
0x26: {  	[tilespmem:s18], [sflag:$0x1] =	stream.linear.gather [hbm4b:s7+s1], $0x800, $0x38;
	[tilespmem:$0x4400] =	vst v63  }
0x27: {  	_ =	swait.ge [sflag:s15], $0x800  }
0x28: {  	[sflag:s15] =	ssyncset.done $0x0  }
0x29: {  	[sflag:s15] =	ssyncadd.s32 $0xFFFFF800  }
0x2a: {  	[tilespmem:s19], [sflag:$0x1] =	stream.linear.gather [hbm4b:s8+s1], $0x800, $0x38;
	[tilespmem:$0x4400] =	vst v63  }
0x2b: {  	_ =	swait.ge [sflag:s15], $0x800  }
0x2c: {  	[sflag:s15] =	ssyncset.done $0x0  }
0x2d: {  	[sflag:s15] =	ssyncadd.s32 $0xFFFFF800  }
0x2e: {  	[tilespmem:s20], [sflag:$0x1] =	stream.linear.gather [hbm4b:s9+s1], $0x800, $0x38;
	[tilespmem:$0x4400] =	vst v63  }
0x2f: {  	_ =	swait.ge [sflag:s15], $0x800  }
0x30: {  	[sflag:s15] =	ssyncset.done $0x0  }
0x31: {  	[sflag:s15] =	ssyncadd.s32 $0xFFFFF800  }
0x32: {  	[tilespmem:s21], [sflag:$0x1] =	stream.linear.gather [hbm4b:s10+s1], $0x400, $0x38;
	[tilespmem:$0x4400] =	vst v63  }
0x33: {  	_ =	swait.ge [sflag:s15], $0x400  }
0x34: {  	[sflag:s15] =	ssyncset.done $0x0  }
0x35: {  	[sflag:s15] =	ssyncadd.s32 $0xFFFFFC00  }
0x36: {  	[tilespmem:s22], [sflag:$0x1] =	stream.linear.gather [hbm4b:s11+s1], $0x400, $0x38;
	[tilespmem:$0x4400] =	vst v63  }
0x37: {  	_ =	swait.ge [sflag:s15], $0x400  }
0x38: {  	[sflag:s15] =	ssyncset.done $0x0  }
0x39: {  	[sflag:s15] =	ssyncadd.s32 $0xFFFFFC00  }
0x3a: {  	[tilespmem:s23], [sflag:$0x1] =	stream.linear.gather [hbm4b:s12+s1], $0x400, $0x38;
	[tilespmem:$0x4400] =	vst v63  }
0x3b: {  	_ =	swait.ge [sflag:s15], $0x400  }
0x3c: {  	[sflag:s15] =	ssyncset.done $0x0  }
0x3d: {  	[sflag:s15] =	ssyncadd.s32 $0xFFFFFC00  }
0x3e: {  	[tilespmem:s24], [sflag:$0x1] =	stream.linear.gather [hbm4b:s13+s1], $0x400, $0x38;
	[tilespmem:$0x4400] =	vst v63  }
0x3f: {  	_ =	swait.ge [sflag:s15], $0x400  }
0x40: {  	[sflag:s15] =	ssyncset.done $0x0  }
0x41: {  	s28 =	simm.s32 $0x0;
	[sflag:s15] =	ssyncadd.s32 $0xFFFFFC00  }
0x42: {  	v1 =	vld [tilespmem:s28+$0x3C00];
	_ =	sdelay $0x5  }
0x43: {  	v2 =	vld [tilespmem:s28+$0x3000]  }
0x44: {  	v5 =	vld [tilespmem:s28+$0x3400]  }
0x45: {  	v3 =	vld.idx.msk [tilespmem:v1+s16+$0x0], $0xffff  }
0x46: {  	v4 =	vld.idx.msk [tilespmem:v1+s1+$0x0], $0xffff  }
0x47: {  	v7 =	vld [tilespmem:s28+$0x3800]  }
0x48: {  	v6 =	vld.idx.msk [tilespmem:v1+s17+$0x0], $0xffff;
	_ =	sdelay $0x2  }
0x49: {  	v4 =	vsub.f32 v2, v4;
	v5 =	vsub.f32 v5, v3;
	_ =	sdelay $0x1  }
0x4a: {  	v6 =	vsub.f32 v7, v6;
	v2 =	vmul.f32 v4, v4;
	v3 =	vmul.f32 v5, v5;
	_ =	sdelay $0x1  }
0x4b: {  	v2 =	vadd.f32 v3, v2;
	v3 =	vmul.f32 v6, v6;
	_ =	sdelay $0x1  }
0x4c: {  	v2 =	vadd.f32 v3, v2;
	_ =	sdelay $0x1  }
0x4d: {  	v3 =	vshra.s32 v2, $0x1;
	v7 =	vmul.f32 $5.000000000e-01, v2  }
0x4e: {  	v3 =	vsub.s32 $0x5F3759DF, v3  }
0x4f: {  	v8 =	vmul.f32 v3, v7;
	_ =	sdelay $0x1  }
0x50: {  	v8 =	vmul.f32 v3, v8;
	_ =	sdelay $0x1  }
0x51: {  	v8 =	vsub.f32 $1.500000000e+00, v8;
	_ =	sdelay $0x1  }
0x52: {  	v3 =	vmul.f32 v3, v8;
	_ =	sdelay $0x1  }
0x53: {  	v8 =	vmul.f32 v3, v7;
	_ =	sdelay $0x1  }
0x54: {  	v8 =	vmul.f32 v8, v3  }
0x55: {  	v9 =	vld.idx.msk [tilespmem:v1+s19+$0x0], $0xffff  }
0x56: {  	v10 =	vld.idx.msk [tilespmem:v1+s18+$0x0], $0xffff;
	v8 =	vsub.f32 $1.500000000e+00, v8;
	_ =	sdelay $0x1  }
0x57: {  	v1 =	vld.idx.msk [tilespmem:v1+s20+$0x0], $0xffff;
	v3 =	vmul.f32 v8, v3;
	_ =	sdelay $0x1  }
0x58: {  	v7 =	vmul.f32 v3, v7  }
0x59: {  	v4 =	vmul.f32 v4, v10;
	v5 =	vmul.f32 v5, v9  }
0x5a: {  	v7 =	vmul.f32 v7, v3  }
0x5b: {  	v4 =	vadd.f32 v5, v4;
	v6 =	vmul.f32 v6, v1  }
0x5c: {  	s30 =	simm.s32 $0x10;
	v5 =	vsub.f32 $1.500000000e+00, v7  }
0x5d: {  	s29 =	simm.s32 $0x80;
	v1 =	vld [tilespmem:s30+$0x3C00];
	v4 =	vadd.f32 v6, v4  }
.LBB2_2:
0x5e: {  	p0 =	sne.s32 s29, $0xFC0;
	v3 =	vmul.f32 v5, v3  }
0x5f: {  	v5 =	vand.u32 $0x80000000, v4;
	vm0 =	vlt.f32 v4, $0.0e+00;
	vm1 =	vgt.f32 v4, $0.0e+00  }
0x60: {  	v2 =	vmul.f32 v3, v2;
	v3 =	vor.u32 v5, v0;
	vm0 =	vmor vm1, vm0  }
0x61: {  	v3 =	vsel vm0, v3, v4  }
0x62: {  	v2 =	vmul.f32 v2, v3;
	_ =	sdelay $0x1  }
0x63: {  	v3 =	vld [tilespmem:s30+$0x3000];
	[tilespmem:s28+$0x4000] =	vst v2;
	s28 =	smov.u32 s30  }
0x64: {  	v2 =	vld.idx.msk [tilespmem:v1+s16+$0x0], $0xffff  }
0x65: {  	v4 =	vld.idx.msk [tilespmem:v1+s1+$0x0], $0xffff  }
0x66: {  	v5 =	vld [tilespmem:s28+$0x3400]  }
0x67: {  	v6 =	vld.idx.msk [tilespmem:v1+s17+$0x0], $0xffff  }
0x68: {  	v7 =	vld [tilespmem:s28+$0x3800];
	_ =	sdelay $0x2  }
0x69: {  	v4 =	vsub.f32 v3, v4;
	v5 =	vsub.f32 v5, v2;
	_ =	sdelay $0x1  }
0x6a: {  	v2 =	vmul.f32 v4, v4;
	v6 =	vsub.f32 v7, v6;
	v3 =	vmul.f32 v5, v5;
	_ =	sdelay $0x1  }
0x6b: {  	v2 =	vadd.f32 v3, v2;
	v3 =	vmul.f32 v6, v6;
	_ =	sdelay $0x1  }
0x6c: {  	v2 =	vadd.f32 v3, v2;
	_ =	sdelay $0x1  }
0x6d: {  	v3 =	vshra.s32 v2, $0x1;
	v7 =	vmul.f32 $5.000000000e-01, v2  }
0x6e: {  	v3 =	vsub.s32 $0x5F3759DF, v3  }
0x6f: {  	v8 =	vmul.f32 v3, v7;
	_ =	sdelay $0x1  }
0x70: {  	v8 =	vmul.f32 v3, v8;
	_ =	sdelay $0x1  }
0x71: {  	v8 =	vsub.f32 $1.500000000e+00, v8;
	_ =	sdelay $0x1  }
0x72: {  	v3 =	vmul.f32 v3, v8;
	_ =	sdelay $0x1  }
0x73: {  	v8 =	vmul.f32 v3, v7;
	_ =	sdelay $0x1  }
0x74: {  	v9 =	vld.idx.msk [tilespmem:v1+s19+$0x0], $0xffff;
	v8 =	vmul.f32 v8, v3  }
0x75: {  	v10 =	vld.idx.msk [tilespmem:v1+s18+$0x0], $0xffff  }
0x76: {  	v8 =	vsub.f32 $1.500000000e+00, v8  }
0x77: {  	v1 =	vld.idx.msk [tilespmem:v1+s20+$0x0], $0xffff  }
0x78: {  	v3 =	vmul.f32 v8, v3;
	_ =	sdelay $0x1  }
0x79: {  	v7 =	vmul.f32 v3, v7  }
.Ltmp0:
0x7a: {  	v5 =	vmul.f32 v5, v9;
	v4 =	vmul.f32 v4, v10;
	(pc) =	sbr.rel @p0 .LBB2_2-.Ltmp0, $4  }
0x7b: {  	v7 =	vmul.f32 v7, v3  }
0x7c: {  	v4 =	vadd.f32 v5, v4;
	v6 =	vmul.f32 v6, v1  }
0x7d: {  	s30 =	sshra.s32 s29, $0x2;
	v5 =	vsub.f32 $1.500000000e+00, v7  }
0x7e: {  	s29 =	sadd.s32 $0x40, s29;
	v4 =	vadd.f32 v6, v4;
	v1 =	vld [tilespmem:s30+$0x3C00]  }
0x7f: {  	_ = 	snop  }
0x80: {  	v3 =	vmul.f32 v5, v3  }
0x81: {  	v56 =	vand.u32 $0x80000000, v4;
	vm0 =	vlt.f32 v4, $0.0e+00;
	vm1 =	vgt.f32 v4, $0.0e+00  }
0x82: {  	v2 =	vmul.f32 v3, v2;
	v3 =	vor.u32 v56, v0;
	vm0 =	vmor vm1, vm0  }
0x83: {  	v3 =	vsel vm0, v3, v4  }
0x84: {  	v2 =	vmul.f32 v2, v3;
	_ =	sdelay $0x1  }
0x85: {  	v3 =	vld [tilespmem:s30+$0x3000];
	[tilespmem:s28+$0x4000] =	vst v2  }
0x86: {  	v2 =	vld.idx.msk [tilespmem:v1+s16+$0x0], $0xffff  }
0x87: {  	v57 =	vld.idx.msk [tilespmem:v1+s1+$0x0], $0xffff  }
0x88: {  	v58 =	vld [tilespmem:s30+$0x3400]  }
0x89: {  	v6 =	vld.idx.msk [tilespmem:v1+s17+$0x0], $0xffff  }
0x8a: {  	v7 =	vld [tilespmem:s30+$0x3800];
	_ =	sdelay $0x2  }
0x8b: {  	v3 =	vsub.f32 v3, v57;
	v2 =	vsub.f32 v58, v2;
	_ =	sdelay $0x1  }
0x8c: {  	v59 =	vsub.f32 v7, v6;
	v60 =	vmul.f32 v3, v3;
	v61 =	vmul.f32 v2, v2;
	_ =	sdelay $0x1  }
0x8d: {  	v62 =	vmul.f32 v59, v59;
	v5 =	vadd.f32 v61, v60;
	_ =	sdelay $0x1  }
0x8e: {  	v5 =	vadd.f32 v62, v5;
	_ =	sdelay $0x1  }
0x8f: {  	v6 =	vshra.s32 v5, $0x1;
	v63 =	vmul.f32 $5.000000000e-01, v5  }
0x90: {  	v6 =	vsub.s32 $0x5F3759DF, v6  }
0x91: {  	v8 =	vmul.f32 v6, v63;
	_ =	sdelay $0x1  }
0x92: {  	v8 =	vmul.f32 v6, v8;
	_ =	sdelay $0x1  }
0x93: {  	v8 =	vsub.f32 $1.500000000e+00, v8;
	_ =	sdelay $0x1  }
0x94: {  	v6 =	vmul.f32 v6, v8;
	_ =	sdelay $0x1  }
0x95: {  	v8 =	vmul.f32 v6, v63;
	_ =	sdelay $0x1  }
0x96: {  	v8 =	vmul.f32 v8, v6  }
0x97: {  	v9 =	vld.idx.msk [tilespmem:v1+s19+$0x0], $0xffff  }
0x98: {  	v10 =	vld.idx.msk [tilespmem:v1+s18+$0x0], $0xffff;
	v8 =	vsub.f32 $1.500000000e+00, v8;
	_ =	sdelay $0x1  }
0x99: {  	v1 =	vld.idx.msk [tilespmem:v1+s20+$0x0], $0xffff;
	v6 =	vmul.f32 v8, v6;
	_ =	sdelay $0x1  }
0x9a: {  	v7 =	vmul.f32 v6, v63  }
0x9b: {  	v3 =	vmul.f32 v3, v10;
	v2 =	vmul.f32 v2, v9  }
0x9c: {  	v7 =	vmul.f32 v7, v6  }
0x9d: {  	v1 =	vmul.f32 v59, v1;
	v2 =	vadd.f32 v2, v3  }
0x9e: {  	v3 =	vsub.f32 $1.500000000e+00, v7  }
0x9f: {  	v1 =	vadd.f32 v1, v2  }
0xa0: {  	v2 =	vmul.f32 v3, v6  }
0xa1: {  	vm14 =	vlt.f32 v1, $0.0e+00;
	vm15 =	vgt.f32 v1, $0.0e+00;
	v3 =	vand.u32 $0x80000000, v1  }
0xa2: {  	vm0 =	vmor vm15, vm14;
	v3 =	vor.u32 v3, v0;
	v2 =	vmul.f32 v2, v5  }
0xa3: {  	v1 =	vsel vm0, v3, v1  }
0xa4: {  	s26 =	sadd.s32 $0x1, s26;
	v1 =	vmul.f32 v2, v1  }
0xa5: {  	p0 =	sne.s32 s26, s3  }
.Ltmp1:
0xa6: {  	[tilespmem:s30+$0x4000] =	vst v1;
	(pc) =	sbr.rel @p0 .LBB2_1-.Ltmp1, $4  }
0xa7: {  	[hbm4b:s14+s1] =	stream.linear.scatter [tilespmem:s25], [sflag:$0x1], $0x400, $0x38;
	[tilespmem:$0x4400] =	vst v63  }
0xa8: {  	_ =	swait.ge [sflag:s15], $0x400  }
0xa9: {  	[sflag:s15] =	ssyncset.done $0x0  }
0xaa: {  	[sflag:s15] =	ssyncadd.s32 $0xFFFFFC00  }
0xab: {  	_ =	sfence.sel $0x180000  }
0xac: {  	[bflag:$0x0] =	sbarrier.arrive $0xFFFF  }
0xad: {  	p0 =	sne.s32 s2, $0x0;
	_ =	strace $0x90000047  }
0xae: {  	s0 =	sadd.s32 @!p0 $0x100000, s0;
	[bflag:$0x2] =	sbarrier.arrive $0xFFFF  }
0xaf: {  	[sflag:s0] =	ssyncadd.tile.s32 @!p0 $0x1;
	_ =	shalt  }
.Lfunc_end2:
_tile_overlayer_lowered:
.L_overlay_start_2:
0xb0: {  	(tag) =	ssettag $0x2  }
0xb1: {  	s0 =	rddreg [dreg:$0x0];
	s2 =	stileid.u32  }
0xb2: {  	s1 =	rddreg [dreg:$0x1];
	p0 =	sne.s32 s2, $0x0  }
0xb3: {  	s3 =	rddreg [dreg:$0x2];
	[bflag:$0x3] =	sbarrier.arrive $0xFFFF;
	s2 =	simm.s32 @!p0 $0x1C01  }
0xb4: {  	[timem:s3], [sflag:s2] =	dma.local @!p0 [hbm:s0], s1  }
0xb5: {  	s0 =	simm.s32 @!p0 $0x1  }
0xb6: {  	_ =	swait.ge @!p0 [sflag:s0], s1  }
0xb7: {  	s1 =	ssub.s32 @!p0 $0x0, s1;
	[sflag:s0] =	ssyncset.done @!p0 $0x0  }
0xb8: {  	[sflag:s0] =	ssyncadd.s32 @!p0 s1  }
0xb9: {  	[bflag:$0x3] =	sbarrier.arrive $0xFFFF  }
0xba: {  	_ =	shalt  }

</sc_bundles>
